<compile_context>
chip_gen: v7x
topology: tpu7x:2x2x1
jax: 0.10.2.dev20260603
libtpu: 0.0.44.dev20260713+nightly
codegen_flags: <defaults>
</compile_context>

<pallas_src>
import functools

import jax
import jax.numpy as jnp
from jax import lax
from jax.experimental import pallas as pl
from jax.experimental.pallas import tpu as pltpu
from jax.experimental.pallas import tpu_sc as plsc

N = 10000
E = 320000
F = 128
EPS = 1e-5

NC = 2
NS = 16
NW = NC * NS
EPW = E // NW
K = 80
NCHUNK = EPW // K
NH = 5120
ND = 256
NR = NH + ND
RPS = NR // NS
NP = 2 * NH

_mesh = plsc.VectorSubcoreMesh(core_axis_name="c", subcore_axis_name="s")
_params = pltpu.CompilerParams(needs_layout_passes=False)


@functools.partial(
    pl.kernel,
    out_type=jax.ShapeDtypeStruct((NW, N), jnp.float32),
    mesh=_mesh,
    compiler_params=_params,
    scratch_types=[
        pltpu.VMEM((EPW,), jnp.int32),
        pltpu.VMEM((N,), jnp.float32),
    ],
)
def _deg_parts(dst_hbm, out_hbm, dst_v, deg_v):
    c = lax.axis_index("c")
    s = lax.axis_index("s")
    wid = s * NC + c

    zeros16 = jnp.zeros((16,), jnp.float32)

    def zero_body(i, carry):
        deg_v[pl.ds(i * 16, 16)] = zeros16
        return carry

    lax.fori_loop(0, N // 16, zero_body, 0)

    pltpu.sync_copy(dst_hbm.at[pl.ds(wid * EPW, EPW)], dst_v)

    ones16 = jnp.full((16,), 1.0, jnp.float32)

    def body(i, carry):
        idx = dst_v[pl.ds(i * 16, 16)]
        plsc.addupdate_scatter(deg_v, [idx], ones16)
        return carry

    lax.fori_loop(0, EPW // 16, body, 0)

    pltpu.sync_copy(deg_v, out_hbm.at[wid])


def _linear_body(x_ref, w_ref, parts_ref, g_ref):
    deg = jnp.sum(parts_ref[...], axis=1, keepdims=True) + 1.0
    dinv = lax.rsqrt(deg)
    h = jnp.dot(x_ref[...], w_ref[...], preferred_element_type=jnp.float32)
    g_ref[...] = h * dinv


_linear = pl.pallas_call(
    _linear_body,
    out_shape=jax.ShapeDtypeStruct((N, F), jnp.float32),
)


@functools.partial(
    pl.kernel,
    out_type=jax.ShapeDtypeStruct((NC, NP, F), jnp.float32),
    mesh=_mesh,
    compiler_params=_params,
    scratch_types=[
        pltpu.VMEM((EPW,), jnp.int32),
        pltpu.VMEM((EPW,), jnp.int32),
        pltpu.VMEM((K,), jnp.int32),
        pltpu.VMEM((K,), jnp.int32),
        pltpu.VMEM((K,), jnp.int32),
        pltpu.VMEM((K,), jnp.int32),
        pltpu.VMEM((K, F), jnp.float32),
        pltpu.VMEM((K, F), jnp.float32),
        pltpu.VMEM_SHARED((NR, F), jnp.float32),
        pltpu.VMEM_SHARED((NR, F), jnp.float32),
        pltpu.SemaphoreType.DMA,
        pltpu.SemaphoreType.DMA,
        pltpu.SemaphoreType.DMA,
    ],
)
def _edge_scatter(src_hbm, dst_hbm, g_hbm, out_hbm,
                  sidx_v, didx_v, dlo_a, dhi_a, dlo_b, dhi_b, rows_a, rows_b,
                  acc_lo, acc_hi, sem_a, sem_b, sem_s):
    c = lax.axis_index("c")
    s = lax.axis_index("s")
    wid = s * NC + c

    zeros16 = jnp.zeros((16,), jnp.float32)

    def zbuf_body(i, carry):
        r = i // (F // 16)
        j = i % (F // 16)
        rows_a[r, pl.ds(j * 16, 16)] = zeros16
        return carry

    lax.fori_loop(0, K * (F // 16), zbuf_body, 0)

    for k in range(4):
        pltpu.sync_copy(rows_a, acc_lo.at[pl.ds(s * RPS + k * K, K)])
        pltpu.sync_copy(rows_a, acc_hi.at[pl.ds(s * RPS + k * K, K)])
    pltpu.sync_copy(rows_a.at[pl.ds(0, RPS - 4 * K)],
                    acc_lo.at[pl.ds(s * RPS + 4 * K, RPS - 4 * K)])
    pltpu.sync_copy(rows_a.at[pl.ds(0, RPS - 4 * K)],
                    acc_hi.at[pl.ds(s * RPS + 4 * K, RPS - 4 * K)])

    pltpu.sync_copy(src_hbm.at[pl.ds(wid * EPW, EPW)], sidx_v)
    pltpu.sync_copy(dst_hbm.at[pl.ds(wid * EPW, EPW)], didx_v)

    plsc.subcore_barrier()

    def gather_start(i, rows_v, sem):
        pltpu.make_async_copy(
            g_hbm.at[sidx_v.at[pl.ds(i * K, K)]], rows_v, sem).start()

    def route(i, dlo_v, dhi_v):
        def route_body(gidx, carry2):
            d = didx_v[pl.ds(i * K + gidx * 16, 16)]
            dump = NH + (d & (ND - 1))
            in_lo = d < NH
            dlo_v[pl.ds(gidx * 16, 16)] = jnp.where(in_lo, d, dump)
            dhi_v[pl.ds(gidx * 16, 16)] = jnp.where(in_lo, dump, d - NH)
            return carry2

        lax.fori_loop(0, K // 16, route_body, 0)

    def scatter(rows_v, dlo_v, dhi_v):
        d1 = pltpu.make_async_copy(rows_v, acc_lo.at[dlo_v], sem_s)
        d2 = pltpu.make_async_copy(rows_v, acc_hi.at[dhi_v], sem_s)
        d1.start(add=True)
        d2.start(add=True)
        d1.wait()
        d2.wait()

    gather_start(0, rows_a, sem_a)

    def body(j, carry):
        ia = 2 * j
        gather_start(ia + 1, rows_b, sem_b)
        pltpu.make_async_copy(g_hbm.at[sidx_v.at[pl.ds(ia * K, K)]],
                              rows_a, sem_a).wait()
        route(ia, dlo_a, dhi_a)
        scatter(rows_a, dlo_a, dhi_a)
        gather_start(ia + 2, rows_a, sem_a)
        pltpu.make_async_copy(g_hbm.at[sidx_v.at[pl.ds((ia + 1) * K, K)]],
                              rows_b, sem_b).wait()
        route(ia + 1, dlo_b, dhi_b)
        scatter(rows_b, dlo_b, dhi_b)
        return carry

    lax.fori_loop(0, (NCHUNK - 1) // 2, body, 0)

    last = NCHUNK - 1
    pltpu.make_async_copy(g_hbm.at[sidx_v.at[pl.ds(last * K, K)]],
                          rows_a, sem_a).wait()
    route(last, dlo_a, dhi_a)
    scatter(rows_a, dlo_a, dhi_a)

    plsc.subcore_barrier()

    WB = NH // NS
    pltpu.sync_copy(acc_lo.at[pl.ds(s * WB, WB)],
                    out_hbm.at[c, pl.ds(s * WB, WB)])
    pltpu.sync_copy(acc_hi.at[pl.ds(s * WB, WB)],
                    out_hbm.at[c, pl.ds(NH + s * WB, WB)])


def _bn_body(accs_ref, g_ref, parts_ref, b_ref, gamma_ref, beta_ref,
             o_ref):
    deg = jnp.sum(parts_ref[...], axis=1, keepdims=True) + 1.0
    dinv = lax.rsqrt(deg)
    t = (accs_ref[0, 0:N, :] + accs_ref[1, 0:N, :] + g_ref[...]) * dinv
    t = t + b_ref[...]
    mu = jnp.mean(t, axis=0, keepdims=True)
    ms = jnp.mean(t * t, axis=0, keepdims=True)
    var = ms - mu * mu
    o_ref[...] = gamma_ref[...] * ((t - mu) * lax.rsqrt(var + EPS)) + beta_ref[...]


_bn = pl.pallas_call(
    _bn_body,
    out_shape=jax.ShapeDtypeStruct((N, F), jnp.float32),
)


def kernel(x, edge_index, W, b, gamma, beta):
    src = edge_index[0].astype(jnp.int32)
    dst = edge_index[1].astype(jnp.int32)
    parts = _deg_parts(dst)
    parts_t = parts.T
    g = _linear(x, W, parts_t)
    accs = _edge_scatter(src, dst, g)
    out = _bn(accs, g, parts_t,
              b.reshape(1, F), gamma.reshape(1, F), beta.reshape(1, F))
    return out

# --- scband reference (transcript-rebuilt; emitter-appended) ---
"""Pipeline reference for scband-gcn-body-8237747274085 (READ-ONLY COPY).

The authoritative reference and input builder live on the scoring server;
editing this copy changes nothing except your own understanding.
"""

import jax, jax.numpy as jnp
import numpy as np

N = 10000
E = 320000
F_IN = 128
F_OUT = 128
EPS = 1e-5


def setup_inputs(seed: int = 0) -> dict:
    key = jax.random.key(seed)
    k1, k2, k3, k4, k5, k6 = jax.random.split(key, 6)
    x = jax.random.normal(k1, (N, F_IN), dtype=jnp.float32)
    edge_index = jax.random.randint(k2, (2, E), 0, N)
    # GCNConv linear weight (glorot) and zero bias, as in PyG defaults
    limit = float(np.sqrt(6.0 / (F_IN + F_OUT)))
    W = jax.random.uniform(k3, (F_IN, F_OUT), minval=-limit, maxval=limit, dtype=jnp.float32)
    b = jnp.zeros((F_OUT,), dtype=jnp.float32)
    # BatchNorm1d affine params
    gamma = jnp.ones((F_OUT,), dtype=jnp.float32)
    beta = jnp.zeros((F_OUT,), dtype=jnp.float32)
    return {"x": x, "edge_index": edge_index, "W": W, "b": b, "gamma": gamma, "beta": beta}


def reference(x, edge_index, W, b, gamma, beta):
    # ---- GCNConv: symmetric-normalized propagation with self-loops ----
    src = edge_index[0]
    dst = edge_index[1]
    loop = jnp.arange(N, dtype=src.dtype)
    src = jnp.concatenate([src, loop])
    dst = jnp.concatenate([dst, loop])
    # linear transform first (nfeat -> nhid)
    h = x @ W
    # degree of each node (counting self loops), computed on dst
    deg = jnp.zeros((N,), dtype=jnp.float32).at[dst].add(1.0)
    dinv = jax.lax.rsqrt(deg)
    dinv = jnp.where(deg > 0, dinv, 0.0)
    norm = dinv[src] * dinv[dst]
    # gather messages from src, scale, scatter-add into dst
    msgs = h[src] * norm[:, None]
    out = jax.ops.segment_sum(msgs, dst, num_segments=N)
    out = out + b
    # ---- BatchNorm1d (training mode: batch statistics) ----
    mean = jnp.mean(out, axis=0)
    var = jnp.var(out, axis=0)
    xhat = (out - mean) * jax.lax.rsqrt(var + EPS)
    return gamma * xhat + beta

if __name__ == "__main__":
    import jax
    _d = setup_inputs()
    print(jax.jit(kernel)(*tuple(_d.values())))

</pallas_src>

<mosaic_0001>
#map = affine_map<(d0, d1) -> (0)>
#map1 = affine_map<(d0, d1) -> (0, 0)>
#map2 = affine_map<(d0, d1) -> (0, 0, 0)>
module attributes {stable_mosaic.version = 14 : i64} {
  func.func @_edge_scatter(%arg0: i32, %arg1: i32, %arg2: memref<320000xi32, #tpu.memory_space<hbm>>, %arg3: memref<320000xi32, #tpu.memory_space<hbm>>, %arg4: memref<10000x128xf32, #tpu.memory_space<hbm>>, %arg5: memref<2x10240x128xf32, #tpu.memory_space<hbm>>, %arg6: memref<10000xi32, #tpu.memory_space<vmem>>, %arg7: memref<10000xi32, #tpu.memory_space<vmem>>, %arg8: memref<80xi32, #tpu.memory_space<vmem>>, %arg9: memref<80xi32, #tpu.memory_space<vmem>>, %arg10: memref<80xi32, #tpu.memory_space<vmem>>, %arg11: memref<80xi32, #tpu.memory_space<vmem>>, %arg12: memref<80x128xf32, #tpu.memory_space<vmem>>, %arg13: memref<80x128xf32, #tpu.memory_space<vmem>>, %arg14: memref<5376x128xf32, #tpu.memory_space<vmem_shared>>, %arg15: memref<5376x128xf32, #tpu.memory_space<vmem_shared>>, %arg16: memref<!tpu.dma_semaphore, #tpu.memory_space<semaphore_mem>>, %arg17: memref<!tpu.dma_semaphore, #tpu.memory_space<semaphore_mem>>, %arg18: memref<!tpu.dma_semaphore, #tpu.memory_space<semaphore_mem>>) attributes {dimension_semantics = [#tpu.dimension_semantics<core_parallel>, #tpu.dimension_semantics<subcore_parallel>], iteration_bounds = array<i64: 2, 16>, scalar_prefetch = 0 : i64, scratch_operands = 13 : i64, tpu.core_type = #tpu.core_type<sc_vector_subcore>, window_params = [{transform_indices = #map}, {transform_indices = #map}, {transform_indices = #map1}, {transform_indices = #map2}]} {
    %mul3A = arith.constant 2 : i32
    %mul3A_0 = arith.muli %arg1, %mul3A : i32
    %add3A = arith.addi %mul3A_0, %arg0 : i32
    %broadcast_in_dim3A = arith.constant 0.000000e+00 : f32
    %broadcast_in_dim3A_1 = vector.broadcast %broadcast_in_dim3A : f32 to vector<16xf32>
    %scan3A = arith.constant 0 : i32
    %scan3A_2 = arith.constant 0 : i32
    %scan3A_3 = arith.constant 640 : i32
    %scan3A_4 = arith.addi %scan3A_2, %scan3A_3 : i32
    %scan3A_5 = arith.constant 1 : i32
    scf.for %scan3A_94 = %scan3A_2 to %scan3A_4 step %scan3A_5  : i32 {
      %jit3A = arith.constant 8 : i32
      %div3A = arith.divsi %scan3A_94, %jit3A : i32
      %sign3A = arith.constant 0 : i32
      %sign3A_95 = arith.cmpi sgt, %scan3A_94, %sign3A : i32
      %sign3A_96 = arith.extui %sign3A_95 : i1 to i32
      %sign3A_97 = arith.constant 0 : i32
      %sign3A_98 = arith.cmpi slt, %scan3A_94, %sign3A_97 : i32
      %sign3A_99 = arith.extui %sign3A_98 : i1 to i32
      %sign3A_100 = arith.subi %sign3A_96, %sign3A_99 : i32
      %sign3A_101 = arith.constant 0 : i32
      %sign3A_102 = arith.cmpi sgt, %jit3A, %sign3A_101 : i32
      %sign3A_103 = arith.extui %sign3A_102 : i1 to i32
      %sign3A_104 = arith.constant 0 : i32
      %sign3A_105 = arith.cmpi slt, %jit3A, %sign3A_104 : i32
      %sign3A_106 = arith.extui %sign3A_105 : i1 to i32
      %sign3A_107 = arith.subi %sign3A_103, %sign3A_106 : i32
      %ne3A = arith.cmpi ne, %sign3A_100, %sign3A_107 : i32
      %rem3A = arith.remsi %scan3A_94, %jit3A : i32
      %ne3A_108 = arith.constant 0 : i32
      %ne3A_109 = arith.cmpi ne, %rem3A, %ne3A_108 : i32
      %and3A = arith.andi %ne3A, %ne3A_109 : i1
      %sub3A = arith.constant 1 : i32
      %sub3A_110 = arith.subi %div3A, %sub3A : i32
      %select_n3A = arith.select %and3A, %sub3A_110, %div3A : i32
      %jit3A_111 = arith.constant 8 : i32
      %eq3A = arith.constant 0 : i32
      %eq3A_112 = arith.cmpi eq, %jit3A_111, %eq3A : i32
      %jit3A_113 = arith.constant 1 : i32
      %select_n3A_114 = arith.select %eq3A_112, %jit3A_113, %jit3A_111 : i32
      %rem3A_115 = arith.remsi %scan3A_94, %select_n3A_114 : i32
      %ne3A_116 = arith.constant 0 : i32
      %ne3A_117 = arith.cmpi ne, %rem3A_115, %ne3A_116 : i32
      %lt3A = arith.constant 0 : i32
      %lt3A_118 = arith.cmpi slt, %rem3A_115, %lt3A : i32
      %lt3A_119 = arith.constant 0 : i32
      %lt3A_120 = arith.cmpi slt, %select_n3A_114, %lt3A_119 : i32
      %ne3A_121 = arith.xori %lt3A_118, %lt3A_120 : i1
      %and3A_122 = arith.andi %ne3A_121, %ne3A_117 : i1
      %add3A_123 = arith.addi %rem3A_115, %select_n3A_114 : i32
      %select_n3A_124 = arith.select %and3A_122, %add3A_123, %rem3A_115 : i32
      %mul3A_125 = arith.constant 16 : i32
      %mul3A_126 = arith.muli %select_n3A_124, %mul3A_125 : i32
      %swap3A = arith.index_cast %select_n3A : i32 to index
      %swap3A_127 = arith.index_cast %mul3A_126 : i32 to index
      %swap3A_128 = tpu.vector_load %arg12[%swap3A, %swap3A_127] {strides = array<i32>} : memref<80x128xf32, #tpu.memory_space<vmem>>, vector<16xf32>,
      tpu.vector_store %arg12[%swap3A, %swap3A_127], %broadcast_in_dim3A_1 {strides = array<i32>} : memref<80x128xf32, #tpu.memory_space<vmem>>, vector<16xf32>,
    }
    %scan3A_6 = arith.constant 640 : i32
    %mul3A_7 = arith.constant 336 : i32
    %mul3A_8 = arith.muli %arg1, %mul3A_7 : i32
    %add3A_9 = arith.constant 0 : i32
    %add3A_10 = arith.addi %mul3A_8, %add3A_9 : i32
    "tpu.region"() ({
      %run_scoped3A = tpu.sem_alloc : memref<!tpu.dma_semaphore, #tpu.memory_space<semaphore_mem>>
      %dma_start3A_94 = arith.constant 0 : i32
      %dma_start3A_95 = tpu.memref_slice %arg14[%add3A_10, %dma_start3A_94] : memref<5376x128xf32, #tpu.memory_space<vmem_shared>> -> memref<80x128xf32, #tpu.memory_space<vmem_shared>>
      %dma_start3A_96 = arith.constant 0 : i32
      %dma_start3A_97 = tpu.memref_slice %arg14[%add3A_10, %dma_start3A_96] : memref<5376x128xf32, #tpu.memory_space<vmem_shared>> -> memref<80x128xf32, #tpu.memory_space<vmem_shared>>
      tpu.enqueue_dma source(%arg12 : memref<80x128xf32, #tpu.memory_space<vmem>>) target(%dma_start3A_97 : memref<80x128xf32, #tpu.memory_space<vmem_shared>>) target_semaphore(%run_scoped3A : memref<!tpu.dma_semaphore, #tpu.memory_space<semaphore_mem>>)
      %dma_wait3A_98 = arith.constant 0 : i32
      %dma_wait3A_99 = tpu.memref_slice %arg14[%add3A_10, %dma_wait3A_98] : memref<5376x128xf32, #tpu.memory_space<vmem_shared>> -> memref<80x128xf32, #tpu.memory_space<vmem_shared>>
      %dma_wait3A_100 = arith.constant 0 : i32
      %dma_wait3A_101 = tpu.memref_slice %arg14[%add3A_10, %dma_wait3A_100] : memref<5376x128xf32, #tpu.memory_space<vmem_shared>> -> memref<80x128xf32, #tpu.memory_space<vmem_shared>>
      tpu.wait_dma2 semaphore(%run_scoped3A : memref<!tpu.dma_semaphore, #tpu.memory_space<semaphore_mem>>) src(%arg12 : memref<80x128xf32, #tpu.memory_space<vmem>>) dst(%dma_wait3A_101 : memref<80x128xf32, #tpu.memory_space<vmem_shared>>)
      tpu.yield
    }) : () -> ()
    %mul3A_11 = arith.constant 336 : i32
    %mul3A_12 = arith.muli %arg1, %mul3A_11 : i32
    %add3A_13 = arith.constant 0 : i32
    %add3A_14 = arith.addi %mul3A_12, %add3A_13 : i32
    "tpu.region"() ({
      %run_scoped3A = tpu.sem_alloc : memref<!tpu.dma_semaphore, #tpu.memory_space<semaphore_mem>>
      %dma_start3A_94 = arith.constant 0 : i32
      %dma_start3A_95 = tpu.memref_slice %arg15[%add3A_14, %dma_start3A_94] : memref<5376x128xf32, #tpu.memory_space<vmem_shared>> -> memref<80x128xf32, #tpu.memory_space<vmem_shared>>
      %dma_start3A_96 = arith.constant 0 : i32
      %dma_start3A_97 = tpu.memref_slice %arg15[%add3A_14, %dma_start3A_96] : memref<5376x128xf32, #tpu.memory_space<vmem_shared>> -> memref<80x128xf32, #tpu.memory_space<vmem_shared>>
      tpu.enqueue_dma source(%arg12 : memref<80x128xf32, #tpu.memory_space<vmem>>) target(%dma_start3A_97 : memref<80x128xf32, #tpu.memory_space<vmem_shared>>) target_semaphore(%run_scoped3A : memref<!tpu.dma_semaphore, #tpu.memory_space<semaphore_mem>>)
      %dma_wait3A_98 = arith.constant 0 : i32
      %dma_wait3A_99 = tpu.memref_slice %arg15[%add3A_14, %dma_wait3A_98] : memref<5376x128xf32, #tpu.memory_space<vmem_shared>> -> memref<80x128xf32, #tpu.memory_space<vmem_shared>>
      %dma_wait3A_100 = arith.constant 0 : i32
      %dma_wait3A_101 = tpu.memref_slice %arg15[%add3A_14, %dma_wait3A_100] : memref<5376x128xf32, #tpu.memory_space<vmem_shared>> -> memref<80x128xf32, #tpu.memory_space<vmem_shared>>
      tpu.wait_dma2 semaphore(%run_scoped3A : memref<!tpu.dma_semaphore, #tpu.memory_space<semaphore_mem>>) src(%arg12 : memref<80x128xf32, #tpu.memory_space<vmem>>) dst(%dma_wait3A_101 : memref<80x128xf32, #tpu.memory_space<vmem_shared>>)
      tpu.yield
    }) : () -> ()
    %mul3A_15 = arith.constant 336 : i32
    %mul3A_16 = arith.muli %arg1, %mul3A_15 : i32
    %add3A_17 = arith.constant 80 : i32
    %add3A_18 = arith.addi %mul3A_16, %add3A_17 : i32
    "tpu.region"() ({
      %run_scoped3A = tpu.sem_alloc : memref<!tpu.dma_semaphore, #tpu.memory_space<semaphore_mem>>
      %dma_start3A_94 = arith.constant 0 : i32
      %dma_start3A_95 = tpu.memref_slice %arg14[%add3A_18, %dma_start3A_94] : memref<5376x128xf32, #tpu.memory_space<vmem_shared>> -> memref<80x128xf32, #tpu.memory_space<vmem_shared>>
      %dma_start3A_96 = arith.constant 0 : i32
      %dma_start3A_97 = tpu.memref_slice %arg14[%add3A_18, %dma_start3A_96] : memref<5376x128xf32, #tpu.memory_space<vmem_shared>> -> memref<80x128xf32, #tpu.memory_space<vmem_shared>>
      tpu.enqueue_dma source(%arg12 : memref<80x128xf32, #tpu.memory_space<vmem>>) target(%dma_start3A_97 : memref<80x128xf32, #tpu.memory_space<vmem_shared>>) target_semaphore(%run_scoped3A : memref<!tpu.dma_semaphore, #tpu.memory_space<semaphore_mem>>)
      %dma_wait3A_98 = arith.constant 0 : i32
      %dma_wait3A_99 = tpu.memref_slice %arg14[%add3A_18, %dma_wait3A_98] : memref<5376x128xf32, #tpu.memory_space<vmem_shared>> -> memref<80x128xf32, #tpu.memory_space<vmem_shared>>
      %dma_wait3A_100 = arith.constant 0 : i32
      %dma_wait3A_101 = tpu.memref_slice %arg14[%add3A_18, %dma_wait3A_100] : memref<5376x128xf32, #tpu.memory_space<vmem_shared>> -> memref<80x128xf32, #tpu.memory_space<vmem_shared>>
      tpu.wait_dma2 semaphore(%run_scoped3A : memref<!tpu.dma_semaphore, #tpu.memory_space<semaphore_mem>>) src(%arg12 : memref<80x128xf32, #tpu.memory_space<vmem>>) dst(%dma_wait3A_101 : memref<80x128xf32, #tpu.memory_space<vmem_shared>>)
      tpu.yield
    }) : () -> ()
    %mul3A_19 = arith.constant 336 : i32
    %mul3A_20 = arith.muli %arg1, %mul3A_19 : i32
    %add3A_21 = arith.constant 80 : i32
    %add3A_22 = arith.addi %mul3A_20, %add3A_21 : i32
    "tpu.region"() ({
      %run_scoped3A = tpu.sem_alloc : memref<!tpu.dma_semaphore, #tpu.memory_space<semaphore_mem>>
      %dma_start3A_94 = arith.constant 0 : i32
      %dma_start3A_95 = tpu.memref_slice %arg15[%add3A_22, %dma_start3A_94] : memref<5376x128xf32, #tpu.memory_space<vmem_shared>> -> memref<80x128xf32, #tpu.memory_space<vmem_shared>>
      %dma_start3A_96 = arith.constant 0 : i32
      %dma_start3A_97 = tpu.memref_slice %arg15[%add3A_22, %dma_start3A_96] : memref<5376x128xf32, #tpu.memory_space<vmem_shared>> -> memref<80x128xf32, #tpu.memory_space<vmem_shared>>
      tpu.enqueue_dma source(%arg12 : memref<80x128xf32, #tpu.memory_space<vmem>>) target(%dma_start3A_97 : memref<80x128xf32, #tpu.memory_space<vmem_shared>>) target_semaphore(%run_scoped3A : memref<!tpu.dma_semaphore, #tpu.memory_space<semaphore_mem>>)
      %dma_wait3A_98 = arith.constant 0 : i32
      %dma_wait3A_99 = tpu.memref_slice %arg15[%add3A_22, %dma_wait3A_98] : memref<5376x128xf32, #tpu.memory_space<vmem_shared>> -> memref<80x128xf32, #tpu.memory_space<vmem_shared>>
      %dma_wait3A_100 = arith.constant 0 : i32
      %dma_wait3A_101 = tpu.memref_slice %arg15[%add3A_22, %dma_wait3A_100] : memref<5376x128xf32, #tpu.memory_space<vmem_shared>> -> memref<80x128xf32, #tpu.memory_space<vmem_shared>>
      tpu.wait_dma2 semaphore(%run_scoped3A : memref<!tpu.dma_semaphore, #tpu.memory_space<semaphore_mem>>) src(%arg12 : memref<80x128xf32, #tpu.memory_space<vmem>>) dst(%dma_wait3A_101 : memref<80x128xf32, #tpu.memory_space<vmem_shared>>)
      tpu.yield
    }) : () -> ()
    %mul3A_23 = arith.constant 336 : i32
    %mul3A_24 = arith.muli %arg1, %mul3A_23 : i32
    %add3A_25 = arith.constant 160 : i32
    %add3A_26 = arith.addi %mul3A_24, %add3A_25 : i32
    "tpu.region"() ({
      %run_scoped3A = tpu.sem_alloc : memref<!tpu.dma_semaphore, #tpu.memory_space<semaphore_mem>>
      %dma_start3A_94 = arith.constant 0 : i32
      %dma_start3A_95 = tpu.memref_slice %arg14[%add3A_26, %dma_start3A_94] : memref<5376x128xf32, #tpu.memory_space<vmem_shared>> -> memref<80x128xf32, #tpu.memory_space<vmem_shared>>
      %dma_start3A_96 = arith.constant 0 : i32
      %dma_start3A_97 = tpu.memref_slice %arg14[%add3A_26, %dma_start3A_96] : memref<5376x128xf32, #tpu.memory_space<vmem_shared>> -> memref<80x128xf32, #tpu.memory_space<vmem_shared>>
      tpu.enqueue_dma source(%arg12 : memref<80x128xf32, #tpu.memory_space<vmem>>) target(%dma_start3A_97 : memref<80x128xf32, #tpu.memory_space<vmem_shared>>) target_semaphore(%run_scoped3A : memref<!tpu.dma_semaphore, #tpu.memory_space<semaphore_mem>>)
      %dma_wait3A_98 = arith.constant 0 : i32
      %dma_wait3A_99 = tpu.memref_slice %arg14[%add3A_26, %dma_wait3A_98] : memref<5376x128xf32, #tpu.memory_space<vmem_shared>> -> memref<80x128xf32, #tpu.memory_space<vmem_shared>>
      %dma_wait3A_100 = arith.constant 0 : i32
      %dma_wait3A_101 = tpu.memref_slice %arg14[%add3A_26, %dma_wait3A_100] : memref<5376x128xf32, #tpu.memory_space<vmem_shared>> -> memref<80x128xf32, #tpu.memory_space<vmem_shared>>
      tpu.wait_dma2 semaphore(%run_scoped3A : memref<!tpu.dma_semaphore, #tpu.memory_space<semaphore_mem>>) src(%arg12 : memref<80x128xf32, #tpu.memory_space<vmem>>) dst(%dma_wait3A_101 : memref<80x128xf32, #tpu.memory_space<vmem_shared>>)
      tpu.yield
    }) : () -> ()
    %mul3A_27 = arith.constant 336 : i32
    %mul3A_28 = arith.muli %arg1, %mul3A_27 : i32
    %add3A_29 = arith.constant 160 : i32
    %add3A_30 = arith.addi %mul3A_28, %add3A_29 : i32
    "tpu.region"() ({
      %run_scoped3A = tpu.sem_alloc : memref<!tpu.dma_semaphore, #tpu.memory_space<semaphore_mem>>
      %dma_start3A_94 = arith.constant 0 : i32
      %dma_start3A_95 = tpu.memref_slice %arg15[%add3A_30, %dma_start3A_94] : memref<5376x128xf32, #tpu.memory_space<vmem_shared>> -> memref<80x128xf32, #tpu.memory_space<vmem_shared>>
      %dma_start3A_96 = arith.constant 0 : i32
      %dma_start3A_97 = tpu.memref_slice %arg15[%add3A_30, %dma_start3A_96] : memref<5376x128xf32, #tpu.memory_space<vmem_shared>> -> memref<80x128xf32, #tpu.memory_space<vmem_shared>>
      tpu.enqueue_dma source(%arg12 : memref<80x128xf32, #tpu.memory_space<vmem>>) target(%dma_start3A_97 : memref<80x128xf32, #tpu.memory_space<vmem_shared>>) target_semaphore(%run_scoped3A : memref<!tpu.dma_semaphore, #tpu.memory_space<semaphore_mem>>)
      %dma_wait3A_98 = arith.constant 0 : i32
      %dma_wait3A_99 = tpu.memref_slice %arg15[%add3A_30, %dma_wait3A_98] : memref<5376x128xf32, #tpu.memory_space<vmem_shared>> -> memref<80x128xf32, #tpu.memory_space<vmem_shared>>
      %dma_wait3A_100 = arith.constant 0 : i32
      %dma_wait3A_101 = tpu.memref_slice %arg15[%add3A_30, %dma_wait3A_100] : memref<5376x128xf32, #tpu.memory_space<vmem_shared>> -> memref<80x128xf32, #tpu.memory_space<vmem_shared>>
      tpu.wait_dma2 semaphore(%run_scoped3A : memref<!tpu.dma_semaphore, #tpu.memory_space<semaphore_mem>>) src(%arg12 : memref<80x128xf32, #tpu.memory_space<vmem>>) dst(%dma_wait3A_101 : memref<80x128xf32, #tpu.memory_space<vmem_shared>>)
      tpu.yield
    }) : () -> ()
    %mul3A_31 = arith.constant 336 : i32
    %mul3A_32 = arith.muli %arg1, %mul3A_31 : i32
    %add3A_33 = arith.constant 240 : i32
    %add3A_34 = arith.addi %mul3A_32, %add3A_33 : i32
    "tpu.region"() ({
      %run_scoped3A = tpu.sem_alloc : memref<!tpu.dma_semaphore, #tpu.memory_space<semaphore_mem>>
      %dma_start3A_94 = arith.constant 0 : i32
      %dma_start3A_95 = tpu.memref_slice %arg14[%add3A_34, %dma_start3A_94] : memref<5376x128xf32, #tpu.memory_space<vmem_shared>> -> memref<80x128xf32, #tpu.memory_space<vmem_shared>>
      %dma_start3A_96 = arith.constant 0 : i32
      %dma_start3A_97 = tpu.memref_slice %arg14[%add3A_34, %dma_start3A_96] : memref<5376x128xf32, #tpu.memory_space<vmem_shared>> -> memref<80x128xf32, #tpu.memory_space<vmem_shared>>
      tpu.enqueue_dma source(%arg12 : memref<80x128xf32, #tpu.memory_space<vmem>>) target(%dma_start3A_97 : memref<80x128xf32, #tpu.memory_space<vmem_shared>>) target_semaphore(%run_scoped3A : memref<!tpu.dma_semaphore, #tpu.memory_space<semaphore_mem>>)
      %dma_wait3A_98 = arith.constant 0 : i32
      %dma_wait3A_99 = tpu.memref_slice %arg14[%add3A_34, %dma_wait3A_98] : memref<5376x128xf32, #tpu.memory_space<vmem_shared>> -> memref<80x128xf32, #tpu.memory_space<vmem_shared>>
      %dma_wait3A_100 = arith.constant 0 : i32
      %dma_wait3A_101 = tpu.memref_slice %arg14[%add3A_34, %dma_wait3A_100] : memref<5376x128xf32, #tpu.memory_space<vmem_shared>> -> memref<80x128xf32, #tpu.memory_space<vmem_shared>>
      tpu.wait_dma2 semaphore(%run_scoped3A : memref<!tpu.dma_semaphore, #tpu.memory_space<semaphore_mem>>) src(%arg12 : memref<80x128xf32, #tpu.memory_space<vmem>>) dst(%dma_wait3A_101 : memref<80x128xf32, #tpu.memory_space<vmem_shared>>)
      tpu.yield
    }) : () -> ()
    %mul3A_35 = arith.constant 336 : i32
    %mul3A_36 = arith.muli %arg1, %mul3A_35 : i32
    %add3A_37 = arith.constant 240 : i32
    %add3A_38 = arith.addi %mul3A_36, %add3A_37 : i32
    "tpu.region"() ({
      %run_scoped3A = tpu.sem_alloc : memref<!tpu.dma_semaphore, #tpu.memory_space<semaphore_mem>>
      %dma_start3A_94 = arith.constant 0 : i32
      %dma_start3A_95 = tpu.memref_slice %arg15[%add3A_38, %dma_start3A_94] : memref<5376x128xf32, #tpu.memory_space<vmem_shared>> -> memref<80x128xf32, #tpu.memory_space<vmem_shared>>
      %dma_start3A_96 = arith.constant 0 : i32
      %dma_start3A_97 = tpu.memref_slice %arg15[%add3A_38, %dma_start3A_96] : memref<5376x128xf32, #tpu.memory_space<vmem_shared>> -> memref<80x128xf32, #tpu.memory_space<vmem_shared>>
      tpu.enqueue_dma source(%arg12 : memref<80x128xf32, #tpu.memory_space<vmem>>) target(%dma_start3A_97 : memref<80x128xf32, #tpu.memory_space<vmem_shared>>) target_semaphore(%run_scoped3A : memref<!tpu.dma_semaphore, #tpu.memory_space<semaphore_mem>>)
      %dma_wait3A_98 = arith.constant 0 : i32
      %dma_wait3A_99 = tpu.memref_slice %arg15[%add3A_38, %dma_wait3A_98] : memref<5376x128xf32, #tpu.memory_space<vmem_shared>> -> memref<80x128xf32, #tpu.memory_space<vmem_shared>>
      %dma_wait3A_100 = arith.constant 0 : i32
      %dma_wait3A_101 = tpu.memref_slice %arg15[%add3A_38, %dma_wait3A_100] : memref<5376x128xf32, #tpu.memory_space<vmem_shared>> -> memref<80x128xf32, #tpu.memory_space<vmem_shared>>
      tpu.wait_dma2 semaphore(%run_scoped3A : memref<!tpu.dma_semaphore, #tpu.memory_space<semaphore_mem>>) src(%arg12 : memref<80x128xf32, #tpu.memory_space<vmem>>) dst(%dma_wait3A_101 : memref<80x128xf32, #tpu.memory_space<vmem_shared>>)
      tpu.yield
    }) : () -> ()
    %mul3A_39 = arith.constant 336 : i32
    %mul3A_40 = arith.muli %arg1, %mul3A_39 : i32
    %add3A_41 = arith.constant 320 : i32
    %add3A_42 = arith.addi %mul3A_40, %add3A_41 : i32
    "tpu.region"() ({
      %run_scoped3A = tpu.sem_alloc : memref<!tpu.dma_semaphore, #tpu.memory_space<semaphore_mem>>
      %dma_start3A_94 = arith.constant 0 : i32
      %dma_start3A_95 = arith.constant 0 : i32
      %dma_start3A_96 = tpu.memref_slice %arg12[%dma_start3A_94, %dma_start3A_95] : memref<80x128xf32, #tpu.memory_space<vmem>> -> memref<16x128xf32, #tpu.memory_space<vmem>>
      %dma_start3A_97 = arith.constant 0 : i32
      %dma_start3A_98 = tpu.memref_slice %arg14[%add3A_42, %dma_start3A_97] : memref<5376x128xf32, #tpu.memory_space<vmem_shared>> -> memref<16x128xf32, #tpu.memory_space<vmem_shared>>
      %dma_start3A_99 = arith.constant 0 : i32
      %dma_start3A_100 = tpu.memref_slice %arg14[%add3A_42, %dma_start3A_99] : memref<5376x128xf32, #tpu.memory_space<vmem_shared>> -> memref<16x128xf32, #tpu.memory_space<vmem_shared>>
      %dma_start3A_101 = arith.constant 0 : i32
      %dma_start3A_102 = arith.constant 0 : i32
      %dma_start3A_103 = tpu.memref_slice %arg12[%dma_start3A_101, %dma_start3A_102] : memref<80x128xf32, #tpu.memory_space<vmem>> -> memref<16x128xf32, #tpu.memory_space<vmem>>
      tpu.enqueue_dma source(%dma_start3A_103 : memref<16x128xf32, #tpu.memory_space<vmem>>) target(%dma_start3A_100 : memref<16x128xf32, #tpu.memory_space<vmem_shared>>) target_semaphore(%run_scoped3A : memref<!tpu.dma_semaphore, #tpu.memory_space<semaphore_mem>>)
      %dma_wait3A_104 = arith.constant 0 : i32
      %dma_wait3A_105 = arith.constant 0 : i32
      %dma_wait3A_106 = tpu.memref_slice %arg12[%dma_wait3A_104, %dma_wait3A_105] : memref<80x128xf32, #tpu.memory_space<vmem>> -> memref<16x128xf32, #tpu.memory_space<vmem>>
      %dma_wait3A_107 = arith.constant 0 : i32
      %dma_wait3A_108 = tpu.memref_slice %arg14[%add3A_42, %dma_wait3A_107] : memref<5376x128xf32, #tpu.memory_space<vmem_shared>> -> memref<16x128xf32, #tpu.memory_space<vmem_shared>>
      %dma_wait3A_109 = arith.constant 0 : i32
      %dma_wait3A_110 = tpu.memref_slice %arg14[%add3A_42, %dma_wait3A_109] : memref<5376x128xf32, #tpu.memory_space<vmem_shared>> -> memref<16x128xf32, #tpu.memory_space<vmem_shared>>
      %dma_wait3A_111 = arith.constant 0 : i32
      %dma_wait3A_112 = arith.constant 0 : i32
      %dma_wait3A_113 = tpu.memref_slice %arg12[%dma_wait3A_111, %dma_wait3A_112] : memref<80x128xf32, #tpu.memory_space<vmem>> -> memref<16x128xf32, #tpu.memory_space<vmem>>
      tpu.wait_dma2 semaphore(%run_scoped3A : memref<!tpu.dma_semaphore, #tpu.memory_space<semaphore_mem>>) src(%dma_wait3A_113 : memref<16x128xf32, #tpu.memory_space<vmem>>) dst(%dma_wait3A_110 : memref<16x128xf32, #tpu.memory_space<vmem_shared>>)
      tpu.yield
    }) : () -> ()
    %mul3A_43 = arith.constant 336 : i32
    %mul3A_44 = arith.muli %arg1, %mul3A_43 : i32
    %add3A_45 = arith.constant 320 : i32
    %add3A_46 = arith.addi %mul3A_44, %add3A_45 : i32
    "tpu.region"() ({
      %run_scoped3A = tpu.sem_alloc : memref<!tpu.dma_semaphore, #tpu.memory_space<semaphore_mem>>
      %dma_start3A_94 = arith.constant 0 : i32
      %dma_start3A_95 = arith.constant 0 : i32
      %dma_start3A_96 = tpu.memref_slice %arg12[%dma_start3A_94, %dma_start3A_95] : memref<80x128xf32, #tpu.memory_space<vmem>> -> memref<16x128xf32, #tpu.memory_space<vmem>>
      %dma_start3A_97 = arith.constant 0 : i32
      %dma_start3A_98 = tpu.memref_slice %arg15[%add3A_46, %dma_start3A_97] : memref<5376x128xf32, #tpu.memory_space<vmem_shared>> -> memref<16x128xf32, #tpu.memory_space<vmem_shared>>
      %dma_start3A_99 = arith.constant 0 : i32
      %dma_start3A_100 = tpu.memref_slice %arg15[%add3A_46, %dma_start3A_99] : memref<5376x128xf32, #tpu.memory_space<vmem_shared>> -> memref<16x128xf32, #tpu.memory_space<vmem_shared>>
      %dma_start3A_101 = arith.constant 0 : i32
      %dma_start3A_102 = arith.constant 0 : i32
      %dma_start3A_103 = tpu.memref_slice %arg12[%dma_start3A_101, %dma_start3A_102] : memref<80x128xf32, #tpu.memory_space<vmem>> -> memref<16x128xf32, #tpu.memory_space<vmem>>
      tpu.enqueue_dma source(%dma_start3A_103 : memref<16x128xf32, #tpu.memory_space<vmem>>) target(%dma_start3A_100 : memref<16x128xf32, #tpu.memory_space<vmem_shared>>) target_semaphore(%run_scoped3A : memref<!tpu.dma_semaphore, #tpu.memory_space<semaphore_mem>>)
      %dma_wait3A_104 = arith.constant 0 : i32
      %dma_wait3A_105 = arith.constant 0 : i32
      %dma_wait3A_106 = tpu.memref_slice %arg12[%dma_wait3A_104, %dma_wait3A_105] : memref<80x128xf32, #tpu.memory_space<vmem>> -> memref<16x128xf32, #tpu.memory_space<vmem>>
      %dma_wait3A_107 = arith.constant 0 : i32
      %dma_wait3A_108 = tpu.memref_slice %arg15[%add3A_46, %dma_wait3A_107] : memref<5376x128xf32, #tpu.memory_space<vmem_shared>> -> memref<16x128xf32, #tpu.memory_space<vmem_shared>>
      %dma_wait3A_109 = arith.constant 0 : i32
      %dma_wait3A_110 = tpu.memref_slice %arg15[%add3A_46, %dma_wait3A_109] : memref<5376x128xf32, #tpu.memory_space<vmem_shared>> -> memref<16x128xf32, #tpu.memory_space<vmem_shared>>
      %dma_wait3A_111 = arith.constant 0 : i32
      %dma_wait3A_112 = arith.constant 0 : i32
      %dma_wait3A_113 = tpu.memref_slice %arg12[%dma_wait3A_111, %dma_wait3A_112] : memref<80x128xf32, #tpu.memory_space<vmem>> -> memref<16x128xf32, #tpu.memory_space<vmem>>
      tpu.wait_dma2 semaphore(%run_scoped3A : memref<!tpu.dma_semaphore, #tpu.memory_space<semaphore_mem>>) src(%dma_wait3A_113 : memref<16x128xf32, #tpu.memory_space<vmem>>) dst(%dma_wait3A_110 : memref<16x128xf32, #tpu.memory_space<vmem_shared>>)
      tpu.yield
    }) : () -> ()
    %mul3A_47 = arith.constant 10000 : i32
    %mul3A_48 = arith.muli %add3A, %mul3A_47 : i32
    "tpu.region"() ({
      %run_scoped3A = tpu.sem_alloc : memref<!tpu.dma_semaphore, #tpu.memory_space<semaphore_mem>>
      %dma_start3A_94 = tpu.memref_slice %arg2[%mul3A_48] : memref<320000xi32, #tpu.memory_space<hbm>> -> memref<10000xi32, #tpu.memory_space<hbm>>
      %dma_start3A_95 = tpu.memref_slice %arg2[%mul3A_48] : memref<320000xi32, #tpu.memory_space<hbm>> -> memref<10000xi32, #tpu.memory_space<hbm>>
      tpu.enqueue_dma source(%dma_start3A_95 : memref<10000xi32, #tpu.memory_space<hbm>>) target(%arg6 : memref<10000xi32, #tpu.memory_space<vmem>>) target_semaphore(%run_scoped3A : memref<!tpu.dma_semaphore, #tpu.memory_space<semaphore_mem>>)
      %dma_wait3A_96 = tpu.memref_slice %arg2[%mul3A_48] : memref<320000xi32, #tpu.memory_space<hbm>> -> memref<10000xi32, #tpu.memory_space<hbm>>
      %dma_wait3A_97 = tpu.memref_slice %arg2[%mul3A_48] : memref<320000xi32, #tpu.memory_space<hbm>> -> memref<10000xi32, #tpu.memory_space<hbm>>
      tpu.wait_dma2 semaphore(%run_scoped3A : memref<!tpu.dma_semaphore, #tpu.memory_space<semaphore_mem>>) src(%dma_wait3A_97 : memref<10000xi32, #tpu.memory_space<hbm>>) dst(%arg6 : memref<10000xi32, #tpu.memory_space<vmem>>)
      tpu.yield
    }) : () -> ()
    %mul3A_49 = arith.constant 10000 : i32
    %mul3A_50 = arith.muli %add3A, %mul3A_49 : i32
    "tpu.region"() ({
      %run_scoped3A = tpu.sem_alloc : memref<!tpu.dma_semaphore, #tpu.memory_space<semaphore_mem>>
      %dma_start3A_94 = tpu.memref_slice %arg3[%mul3A_50] : memref<320000xi32, #tpu.memory_space<hbm>> -> memref<10000xi32, #tpu.memory_space<hbm>>
      %dma_start3A_95 = tpu.memref_slice %arg3[%mul3A_50] : memref<320000xi32, #tpu.memory_space<hbm>> -> memref<10000xi32, #tpu.memory_space<hbm>>
      tpu.enqueue_dma source(%dma_start3A_95 : memref<10000xi32, #tpu.memory_space<hbm>>) target(%arg7 : memref<10000xi32, #tpu.memory_space<vmem>>) target_semaphore(%run_scoped3A : memref<!tpu.dma_semaphore, #tpu.memory_space<semaphore_mem>>)
      %dma_wait3A_96 = tpu.memref_slice %arg3[%mul3A_50] : memref<320000xi32, #tpu.memory_space<hbm>> -> memref<10000xi32, #tpu.memory_space<hbm>>
      %dma_wait3A_97 = tpu.memref_slice %arg3[%mul3A_50] : memref<320000xi32, #tpu.memory_space<hbm>> -> memref<10000xi32, #tpu.memory_space<hbm>>
      tpu.wait_dma2 semaphore(%run_scoped3A : memref<!tpu.dma_semaphore, #tpu.memory_space<semaphore_mem>>) src(%dma_wait3A_97 : memref<10000xi32, #tpu.memory_space<hbm>>) dst(%arg7 : memref<10000xi32, #tpu.memory_space<vmem>>)
      tpu.yield
    }) : () -> ()
    %barrier3A = arith.constant 0 : index
    tpu.barrier barrier_id(%barrier3A)
    %dma_start3A = arith.constant 0 : i32
    %dma_start3A_51 = tpu.memref_slice %arg6[%dma_start3A] : memref<10000xi32, #tpu.memory_space<vmem>> -> memref<80xi32, #tpu.memory_space<vmem>>
    %dma_start3A_52 = arith.constant 0 : i32
    %dma_start3A_53 = arith.constant 0 : i32
    %dma_start3A_54 = tpu.memref_slice %arg4[%dma_start3A_52, %dma_start3A_53] : memref<10000x128xf32, #tpu.memory_space<hbm>> -> memref<10000x128xf32, #tpu.memory_space<hbm>>
    tpu.enqueue_indirect_dma source(%dma_start3A_54 : memref<10000x128xf32, #tpu.memory_space<hbm>>) target(%arg12 : memref<80x128xf32, #tpu.memory_space<vmem>>) offsets(%dma_start3A_51 : memref<80xi32, #tpu.memory_space<vmem>>) semaphore(%arg16 : memref<!tpu.dma_semaphore, #tpu.memory_space<semaphore_mem>>)
    %scan3A_55 = arith.constant 0 : i32
    %scan3A_56 = arith.constant 0 : i32
    %scan3A_57 = arith.constant 62 : i32
    %scan3A_58 = arith.addi %scan3A_56, %scan3A_57 : i32
    %scan3A_59 = arith.constant 1 : i32
    scf.for %scan3A_94 = %scan3A_56 to %scan3A_58 step %scan3A_59  : i32 {
      %mul3A_95 = arith.constant 2 : i32
      %mul3A_96 = arith.muli %mul3A_95, %scan3A_94 : i32
      %add3A_97 = arith.constant 1 : i32
      %add3A_98 = arith.addi %mul3A_96, %add3A_97 : i32
      %mul3A_99 = arith.constant 80 : i32
      %mul3A_100 = arith.muli %add3A_98, %mul3A_99 : i32
      %dma_start3A_101 = tpu.memref_slice %arg6[%mul3A_100] : memref<10000xi32, #tpu.memory_space<vmem>> -> memref<80xi32, #tpu.memory_space<vmem>>
      %dma_start3A_102 = arith.constant 0 : i32
      %dma_start3A_103 = arith.constant 0 : i32
      %dma_start3A_104 = tpu.memref_slice %arg4[%dma_start3A_102, %dma_start3A_103] : memref<10000x128xf32, #tpu.memory_space<hbm>> -> memref<10000x128xf32, #tpu.memory_space<hbm>>
      tpu.enqueue_indirect_dma source(%dma_start3A_104 : memref<10000x128xf32, #tpu.memory_space<hbm>>) target(%arg13 : memref<80x128xf32, #tpu.memory_space<vmem>>) offsets(%dma_start3A_101 : memref<80xi32, #tpu.memory_space<vmem>>) semaphore(%arg17 : memref<!tpu.dma_semaphore, #tpu.memory_space<semaphore_mem>>)
      %mul3A_105 = arith.constant 80 : i32
      %mul3A_106 = arith.muli %mul3A_96, %mul3A_105 : i32
      %dma_wait3A_107 = tpu.memref_slice %arg6[%mul3A_106] : memref<10000xi32, #tpu.memory_space<vmem>> -> memref<80xi32, #tpu.memory_space<vmem>>
      %dma_wait3A_108 = arith.constant 0 : i32
      %dma_wait3A_109 = arith.constant 0 : i32
      %dma_wait3A_110 = tpu.memref_slice %arg4[%dma_wait3A_108, %dma_wait3A_109] : memref<10000x128xf32, #tpu.memory_space<hbm>> -> memref<10000x128xf32, #tpu.memory_space<hbm>>
      tpu.wait_indirect_dma semaphore(%arg16 : memref<!tpu.dma_semaphore, #tpu.memory_space<semaphore_mem>>) src(%dma_wait3A_110 : memref<10000x128xf32, #tpu.memory_space<hbm>>) dst(%arg12 : memref<80x128xf32, #tpu.memory_space<vmem>>)
      %scan3A_111 = arith.constant 0 : i32
      %scan3A_112 = arith.constant 0 : i32
      %scan3A_113 = arith.constant 5 : i32
      %scan3A_114 = arith.addi %scan3A_112, %scan3A_113 : i32
      %scan3A_115 = arith.constant 1 : i32
      scf.for %scan3A_165 = %scan3A_112 to %scan3A_114 step %scan3A_115  : i32 {
        %mul3A_166 = arith.constant 80 : i32
        %mul3A_167 = arith.muli %mul3A_96, %mul3A_166 : i32
        %mul3A_168 = arith.constant 16 : i32
        %mul3A_169 = arith.muli %scan3A_165, %mul3A_168 : i32
        %add3A_170 = arith.addi %mul3A_167, %mul3A_169 : i32
        %get3A = arith.index_cast %add3A_170 : i32 to index
        %get3A_171 = tpu.vector_load %arg7[%get3A] {strides = array<i32>} : memref<10000xi32, #tpu.memory_space<vmem>>, vector<16xi32>,
        %and3A = arith.constant 255 : i32
        %and3A_172 = vector.broadcast %and3A : i32 to vector<16xi32>
        %and3A_173 = arith.andi %get3A_171, %and3A_172 : vector<16xi32>
        %add3A_174 = arith.constant 5120 : i32
        %add3A_175 = vector.broadcast %add3A_174 : i32 to vector<16xi32>
        %add3A_176 = arith.addi %add3A_175, %and3A_173 : vector<16xi32>
        %lt3A = arith.constant 5120 : i32
        %lt3A_177 = vector.broadcast %lt3A : i32 to vector<16xi32>
        %lt3A_178 = arith.cmpi slt, %get3A_171, %lt3A_177 : vector<16xi32>
        %select_n3A = arith.select %lt3A_178, %get3A_171, %add3A_176 : vector<16xi1>, vector<16xi32>
        %mul3A_179 = arith.constant 16 : i32
        %mul3A_180 = arith.muli %scan3A_165, %mul3A_179 : i32
        %swap3A = arith.index_cast %mul3A_180 : i32 to index
        %swap3A_181 = tpu.vector_load %arg8[%swap3A] {strides = array<i32>} : memref<80xi32, #tpu.memory_space<vmem>>, vector<16xi32>,
        tpu.vector_store %arg8[%swap3A], %select_n3A {strides = array<i32>} : memref<80xi32, #tpu.memory_space<vmem>>, vector<16xi32>,
        %sub3A = arith.constant 5120 : i32
        %sub3A_182 = vector.broadcast %sub3A : i32 to vector<16xi32>
        %sub3A_183 = arith.subi %get3A_171, %sub3A_182 : vector<16xi32>
        %select_n3A_184 = arith.select %lt3A_178, %add3A_176, %sub3A_183 : vector<16xi1>, vector<16xi32>
        %mul3A_185 = arith.constant 16 : i32
        %mul3A_186 = arith.muli %scan3A_165, %mul3A_185 : i32
        %swap3A_187 = arith.index_cast %mul3A_186 : i32 to index
        %swap3A_188 = tpu.vector_load %arg9[%swap3A_187] {strides = array<i32>} : memref<80xi32, #tpu.memory_space<vmem>>, vector<16xi32>,
        tpu.vector_store %arg9[%swap3A_187], %select_n3A_184 {strides = array<i32>} : memref<80xi32, #tpu.memory_space<vmem>>, vector<16xi32>,
      }
      %scan3A_116 = arith.constant 5 : i32
      %dma_start3A_117 = arith.constant 0 : i32
      %dma_start3A_118 = arith.constant 0 : i32
      %dma_start3A_119 = tpu.memref_slice %arg14[%dma_start3A_117, %dma_start3A_118] : memref<5376x128xf32, #tpu.memory_space<vmem_shared>> -> memref<5376x128xf32, #tpu.memory_space<vmem_shared>>
      tpu.enqueue_indirect_dma source(%arg12 : memref<80x128xf32, #tpu.memory_space<vmem>>) target(%dma_start3A_119 : memref<5376x128xf32, #tpu.memory_space<vmem_shared>>) offsets(%arg8 : memref<80xi32, #tpu.memory_space<vmem>>) semaphore(%arg18 : memref<!tpu.dma_semaphore, #tpu.memory_space<semaphore_mem>>) {add = true}
      %dma_start3A_120 = arith.constant 0 : i32
      %dma_start3A_121 = arith.constant 0 : i32
      %dma_start3A_122 = tpu.memref_slice %arg15[%dma_start3A_120, %dma_start3A_121] : memref<5376x128xf32, #tpu.memory_space<vmem_shared>> -> memref<5376x128xf32, #tpu.memory_space<vmem_shared>>
      tpu.enqueue_indirect_dma source(%arg12 : memref<80x128xf32, #tpu.memory_space<vmem>>) target(%dma_start3A_122 : memref<5376x128xf32, #tpu.memory_space<vmem_shared>>) offsets(%arg9 : memref<80xi32, #tpu.memory_space<vmem>>) semaphore(%arg18 : memref<!tpu.dma_semaphore, #tpu.memory_space<semaphore_mem>>) {add = true}
      %dma_wait3A_123 = arith.constant 0 : i32
      %dma_wait3A_124 = arith.constant 0 : i32
      %dma_wait3A_125 = tpu.memref_slice %arg14[%dma_wait3A_123, %dma_wait3A_124] : memref<5376x128xf32, #tpu.memory_space<vmem_shared>> -> memref<5376x128xf32, #tpu.memory_space<vmem_shared>>
      tpu.wait_indirect_dma semaphore(%arg18 : memref<!tpu.dma_semaphore, #tpu.memory_space<semaphore_mem>>) src(%arg12 : memref<80x128xf32, #tpu.memory_space<vmem>>) dst(%dma_wait3A_125 : memref<5376x128xf32, #tpu.memory_space<vmem_shared>>)
      %dma_wait3A_126 = arith.constant 0 : i32
      %dma_wait3A_127 = arith.constant 0 : i32
      %dma_wait3A_128 = tpu.memref_slice %arg15[%dma_wait3A_126, %dma_wait3A_127] : memref<5376x128xf32, #tpu.memory_space<vmem_shared>> -> memref<5376x128xf32, #tpu.memory_space<vmem_shared>>
      tpu.wait_indirect_dma semaphore(%arg18 : memref<!tpu.dma_semaphore, #tpu.memory_space<semaphore_mem>>) src(%arg12 : memref<80x128xf32, #tpu.memory_space<vmem>>) dst(%dma_wait3A_128 : memref<5376x128xf32, #tpu.memory_space<vmem_shared>>)
      %add3A_129 = arith.constant 2 : i32
      %add3A_130 = arith.addi %mul3A_96, %add3A_129 : i32
      %mul3A_131 = arith.constant 80 : i32
      %mul3A_132 = arith.muli %add3A_130, %mul3A_131 : i32
      %dma_start3A_133 = tpu.memref_slice %arg6[%mul3A_132] : memref<10000xi32, #tpu.memory_space<vmem>> -> memref<80xi32, #tpu.memory_space<vmem>>
      %dma_start3A_134 = arith.constant 0 : i32
      %dma_start3A_135 = arith.constant 0 : i32
      %dma_start3A_136 = tpu.memref_slice %arg4[%dma_start3A_134, %dma_start3A_135] : memref<10000x128xf32, #tpu.memory_space<hbm>> -> memref<10000x128xf32, #tpu.memory_space<hbm>>
      tpu.enqueue_indirect_dma source(%dma_start3A_136 : memref<10000x128xf32, #tpu.memory_space<hbm>>) target(%arg12 : memref<80x128xf32, #tpu.memory_space<vmem>>) offsets(%dma_start3A_133 : memref<80xi32, #tpu.memory_space<vmem>>) semaphore(%arg16 : memref<!tpu.dma_semaphore, #tpu.memory_space<semaphore_mem>>)
      %add3A_137 = arith.constant 1 : i32
      %add3A_138 = arith.addi %mul3A_96, %add3A_137 : i32
      %mul3A_139 = arith.constant 80 : i32
      %mul3A_140 = arith.muli %add3A_138, %mul3A_139 : i32
      %dma_wait3A_141 = tpu.memref_slice %arg6[%mul3A_140] : memref<10000xi32, #tpu.memory_space<vmem>> -> memref<80xi32, #tpu.memory_space<vmem>>
      %dma_wait3A_142 = arith.constant 0 : i32
      %dma_wait3A_143 = arith.constant 0 : i32
      %dma_wait3A_144 = tpu.memref_slice %arg4[%dma_wait3A_142, %dma_wait3A_143] : memref<10000x128xf32, #tpu.memory_space<hbm>> -> memref<10000x128xf32, #tpu.memory_space<hbm>>
      tpu.wait_indirect_dma semaphore(%arg17 : memref<!tpu.dma_semaphore, #tpu.memory_space<semaphore_mem>>) src(%dma_wait3A_144 : memref<10000x128xf32, #tpu.memory_space<hbm>>) dst(%arg13 : memref<80x128xf32, #tpu.memory_space<vmem>>)
      %add3A_145 = arith.constant 1 : i32
      %add3A_146 = arith.addi %mul3A_96, %add3A_145 : i32
      %scan3A_147 = arith.constant 0 : i32
      %scan3A_148 = arith.constant 0 : i32
      %scan3A_149 = arith.constant 5 : i32
      %scan3A_150 = arith.addi %scan3A_148, %scan3A_149 : i32
      %scan3A_151 = arith.constant 1 : i32
      scf.for %scan3A_165 = %scan3A_148 to %scan3A_150 step %scan3A_151  : i32 {
        %mul3A_166 = arith.constant 80 : i32
        %mul3A_167 = arith.muli %add3A_146, %mul3A_166 : i32
        %mul3A_168 = arith.constant 16 : i32
        %mul3A_169 = arith.muli %scan3A_165, %mul3A_168 : i32
        %add3A_170 = arith.addi %mul3A_167, %mul3A_169 : i32
        %get3A = arith.index_cast %add3A_170 : i32 to index
        %get3A_171 = tpu.vector_load %arg7[%get3A] {strides = array<i32>} : memref<10000xi32, #tpu.memory_space<vmem>>, vector<16xi32>,
        %and3A = arith.constant 255 : i32
        %and3A_172 = vector.broadcast %and3A : i32 to vector<16xi32>
        %and3A_173 = arith.andi %get3A_171, %and3A_172 : vector<16xi32>
        %add3A_174 = arith.constant 5120 : i32
        %add3A_175 = vector.broadcast %add3A_174 : i32 to vector<16xi32>
        %add3A_176 = arith.addi %add3A_175, %and3A_173 : vector<16xi32>
        %lt3A = arith.constant 5120 : i32
        %lt3A_177 = vector.broadcast %lt3A : i32 to vector<16xi32>
        %lt3A_178 = arith.cmpi slt, %get3A_171, %lt3A_177 : vector<16xi32>
        %select_n3A = arith.select %lt3A_178, %get3A_171, %add3A_176 : vector<16xi1>, vector<16xi32>
        %mul3A_179 = arith.constant 16 : i32
        %mul3A_180 = arith.muli %scan3A_165, %mul3A_179 : i32
        %swap3A = arith.index_cast %mul3A_180 : i32 to index
        %swap3A_181 = tpu.vector_load %arg10[%swap3A] {strides = array<i32>} : memref<80xi32, #tpu.memory_space<vmem>>, vector<16xi32>,
        tpu.vector_store %arg10[%swap3A], %select_n3A {strides = array<i32>} : memref<80xi32, #tpu.memory_space<vmem>>, vector<16xi32>,
        %sub3A = arith.constant 5120 : i32
        %sub3A_182 = vector.broadcast %sub3A : i32 to vector<16xi32>
        %sub3A_183 = arith.subi %get3A_171, %sub3A_182 : vector<16xi32>
        %select_n3A_184 = arith.select %lt3A_178, %add3A_176, %sub3A_183 : vector<16xi1>, vector<16xi32>
        %mul3A_185 = arith.constant 16 : i32
        %mul3A_186 = arith.muli %scan3A_165, %mul3A_185 : i32
        %swap3A_187 = arith.index_cast %mul3A_186 : i32 to index
        %swap3A_188 = tpu.vector_load %arg11[%swap3A_187] {strides = array<i32>} : memref<80xi32, #tpu.memory_space<vmem>>, vector<16xi32>,
        tpu.vector_store %arg11[%swap3A_187], %select_n3A_184 {strides = array<i32>} : memref<80xi32, #tpu.memory_space<vmem>>, vector<16xi32>,
      }
      %scan3A_152 = arith.constant 5 : i32
      %dma_start3A_153 = arith.constant 0 : i32
      %dma_start3A_154 = arith.constant 0 : i32
      %dma_start3A_155 = tpu.memref_slice %arg14[%dma_start3A_153, %dma_start3A_154] : memref<5376x128xf32, #tpu.memory_space<vmem_shared>> -> memref<5376x128xf32, #tpu.memory_space<vmem_shared>>
      tpu.enqueue_indirect_dma source(%arg13 : memref<80x128xf32, #tpu.memory_space<vmem>>) target(%dma_start3A_155 : memref<5376x128xf32, #tpu.memory_space<vmem_shared>>) offsets(%arg10 : memref<80xi32, #tpu.memory_space<vmem>>) semaphore(%arg18 : memref<!tpu.dma_semaphore, #tpu.memory_space<semaphore_mem>>) {add = true}
      %dma_start3A_156 = arith.constant 0 : i32
      %dma_start3A_157 = arith.constant 0 : i32
      %dma_start3A_158 = tpu.memref_slice %arg15[%dma_start3A_156, %dma_start3A_157] : memref<5376x128xf32, #tpu.memory_space<vmem_shared>> -> memref<5376x128xf32, #tpu.memory_space<vmem_shared>>
      tpu.enqueue_indirect_dma source(%arg13 : memref<80x128xf32, #tpu.memory_space<vmem>>) target(%dma_start3A_158 : memref<5376x128xf32, #tpu.memory_space<vmem_shared>>) offsets(%arg11 : memref<80xi32, #tpu.memory_space<vmem>>) semaphore(%arg18 : memref<!tpu.dma_semaphore, #tpu.memory_space<semaphore_mem>>) {add = true}
      %dma_wait3A_159 = arith.constant 0 : i32
      %dma_wait3A_160 = arith.constant 0 : i32
      %dma_wait3A_161 = tpu.memref_slice %arg14[%dma_wait3A_159, %dma_wait3A_160] : memref<5376x128xf32, #tpu.memory_space<vmem_shared>> -> memref<5376x128xf32, #tpu.memory_space<vmem_shared>>
      tpu.wait_indirect_dma semaphore(%arg18 : memref<!tpu.dma_semaphore, #tpu.memory_space<semaphore_mem>>) src(%arg13 : memref<80x128xf32, #tpu.memory_space<vmem>>) dst(%dma_wait3A_161 : memref<5376x128xf32, #tpu.memory_space<vmem_shared>>)
      %dma_wait3A_162 = arith.constant 0 : i32
      %dma_wait3A_163 = arith.constant 0 : i32
      %dma_wait3A_164 = tpu.memref_slice %arg15[%dma_wait3A_162, %dma_wait3A_163] : memref<5376x128xf32, #tpu.memory_space<vmem_shared>> -> memref<5376x128xf32, #tpu.memory_space<vmem_shared>>
      tpu.wait_indirect_dma semaphore(%arg18 : memref<!tpu.dma_semaphore, #tpu.memory_space<semaphore_mem>>) src(%arg13 : memref<80x128xf32, #tpu.memory_space<vmem>>) dst(%dma_wait3A_164 : memref<5376x128xf32, #tpu.memory_space<vmem_shared>>)
    }
    %scan3A_60 = arith.constant 62 : i32
    %dma_wait3A = arith.constant 9920 : i32
    %dma_wait3A_61 = tpu.memref_slice %arg6[%dma_wait3A] : memref<10000xi32, #tpu.memory_space<vmem>> -> memref<80xi32, #tpu.memory_space<vmem>>
    %dma_wait3A_62 = arith.constant 0 : i32
    %dma_wait3A_63 = arith.constant 0 : i32
    %dma_wait3A_64 = tpu.memref_slice %arg4[%dma_wait3A_62, %dma_wait3A_63] : memref<10000x128xf32, #tpu.memory_space<hbm>> -> memref<10000x128xf32, #tpu.memory_space<hbm>>
    tpu.wait_indirect_dma semaphore(%arg16 : memref<!tpu.dma_semaphore, #tpu.memory_space<semaphore_mem>>) src(%dma_wait3A_64 : memref<10000x128xf32, #tpu.memory_space<hbm>>) dst(%arg12 : memref<80x128xf32, #tpu.memory_space<vmem>>)
    %scan3A_65 = arith.constant 0 : i32
    %scan3A_66 = arith.constant 0 : i32
    %scan3A_67 = arith.constant 5 : i32
    %scan3A_68 = arith.addi %scan3A_66, %scan3A_67 : i32
    %scan3A_69 = arith.constant 1 : i32
    scf.for %scan3A_94 = %scan3A_66 to %scan3A_68 step %scan3A_69  : i32 {
      %mul3A_95 = arith.constant 16 : i32
      %mul3A_96 = arith.muli %scan3A_94, %mul3A_95 : i32
      %add3A_97 = arith.constant 9920 : i32
      %add3A_98 = arith.addi %add3A_97, %mul3A_96 : i32
      %get3A = arith.index_cast %add3A_98 : i32 to index
      %get3A_99 = tpu.vector_load %arg7[%get3A] {strides = array<i32>} : memref<10000xi32, #tpu.memory_space<vmem>>, vector<16xi32>,
      %and3A = arith.constant 255 : i32
      %and3A_100 = vector.broadcast %and3A : i32 to vector<16xi32>
      %and3A_101 = arith.andi %get3A_99, %and3A_100 : vector<16xi32>
      %add3A_102 = arith.constant 5120 : i32
      %add3A_103 = vector.broadcast %add3A_102 : i32 to vector<16xi32>
      %add3A_104 = arith.addi %add3A_103, %and3A_101 : vector<16xi32>
      %lt3A = arith.constant 5120 : i32
      %lt3A_105 = vector.broadcast %lt3A : i32 to vector<16xi32>
      %lt3A_106 = arith.cmpi slt, %get3A_99, %lt3A_105 : vector<16xi32>
      %select_n3A = arith.select %lt3A_106, %get3A_99, %add3A_104 : vector<16xi1>, vector<16xi32>
      %mul3A_107 = arith.constant 16 : i32
      %mul3A_108 = arith.muli %scan3A_94, %mul3A_107 : i32
      %swap3A = arith.index_cast %mul3A_108 : i32 to index
      %swap3A_109 = tpu.vector_load %arg8[%swap3A] {strides = array<i32>} : memref<80xi32, #tpu.memory_space<vmem>>, vector<16xi32>,
      tpu.vector_store %arg8[%swap3A], %select_n3A {strides = array<i32>} : memref<80xi32, #tpu.memory_space<vmem>>, vector<16xi32>,
      %sub3A = arith.constant 5120 : i32
      %sub3A_110 = vector.broadcast %sub3A : i32 to vector<16xi32>
      %sub3A_111 = arith.subi %get3A_99, %sub3A_110 : vector<16xi32>
      %select_n3A_112 = arith.select %lt3A_106, %add3A_104, %sub3A_111 : vector<16xi1>, vector<16xi32>
      %mul3A_113 = arith.constant 16 : i32
      %mul3A_114 = arith.muli %scan3A_94, %mul3A_113 : i32
      %swap3A_115 = arith.index_cast %mul3A_114 : i32 to index
      %swap3A_116 = tpu.vector_load %arg9[%swap3A_115] {strides = array<i32>} : memref<80xi32, #tpu.memory_space<vmem>>, vector<16xi32>,
      tpu.vector_store %arg9[%swap3A_115], %select_n3A_112 {strides = array<i32>} : memref<80xi32, #tpu.memory_space<vmem>>, vector<16xi32>,
    }
    %scan3A_70 = arith.constant 5 : i32
    %dma_start3A_71 = arith.constant 0 : i32
    %dma_start3A_72 = arith.constant 0 : i32
    %dma_start3A_73 = tpu.memref_slice %arg14[%dma_start3A_71, %dma_start3A_72] : memref<5376x128xf32, #tpu.memory_space<vmem_shared>> -> memref<5376x128xf32, #tpu.memory_space<vmem_shared>>
    tpu.enqueue_indirect_dma source(%arg12 : memref<80x128xf32, #tpu.memory_space<vmem>>) target(%dma_start3A_73 : memref<5376x128xf32, #tpu.memory_space<vmem_shared>>) offsets(%arg8 : memref<80xi32, #tpu.memory_space<vmem>>) semaphore(%arg18 : memref<!tpu.dma_semaphore, #tpu.memory_space<semaphore_mem>>) {add = true}
    %dma_start3A_74 = arith.constant 0 : i32
    %dma_start3A_75 = arith.constant 0 : i32
    %dma_start3A_76 = tpu.memref_slice %arg15[%dma_start3A_74, %dma_start3A_75] : memref<5376x128xf32, #tpu.memory_space<vmem_shared>> -> memref<5376x128xf32, #tpu.memory_space<vmem_shared>>
    tpu.enqueue_indirect_dma source(%arg12 : memref<80x128xf32, #tpu.memory_space<vmem>>) target(%dma_start3A_76 : memref<5376x128xf32, #tpu.memory_space<vmem_shared>>) offsets(%arg9 : memref<80xi32, #tpu.memory_space<vmem>>) semaphore(%arg18 : memref<!tpu.dma_semaphore, #tpu.memory_space<semaphore_mem>>) {add = true}
    %dma_wait3A_77 = arith.constant 0 : i32
    %dma_wait3A_78 = arith.constant 0 : i32
    %dma_wait3A_79 = tpu.memref_slice %arg14[%dma_wait3A_77, %dma_wait3A_78] : memref<5376x128xf32, #tpu.memory_space<vmem_shared>> -> memref<5376x128xf32, #tpu.memory_space<vmem_shared>>
    tpu.wait_indirect_dma semaphore(%arg18 : memref<!tpu.dma_semaphore, #tpu.memory_space<semaphore_mem>>) src(%arg12 : memref<80x128xf32, #tpu.memory_space<vmem>>) dst(%dma_wait3A_79 : memref<5376x128xf32, #tpu.memory_space<vmem_shared>>)
    %dma_wait3A_80 = arith.constant 0 : i32
    %dma_wait3A_81 = arith.constant 0 : i32
    %dma_wait3A_82 = tpu.memref_slice %arg15[%dma_wait3A_80, %dma_wait3A_81] : memref<5376x128xf32, #tpu.memory_space<vmem_shared>> -> memref<5376x128xf32, #tpu.memory_space<vmem_shared>>
    tpu.wait_indirect_dma semaphore(%arg18 : memref<!tpu.dma_semaphore, #tpu.memory_space<semaphore_mem>>) src(%arg12 : memref<80x128xf32, #tpu.memory_space<vmem>>) dst(%dma_wait3A_82 : memref<5376x128xf32, #tpu.memory_space<vmem_shared>>)
    %barrier3A_83 = arith.constant 0 : index
    tpu.barrier barrier_id(%barrier3A_83)
    %mul3A_84 = arith.constant 320 : i32
    %mul3A_85 = arith.muli %arg1, %mul3A_84 : i32
    %mul3A_86 = arith.constant 320 : i32
    %mul3A_87 = arith.muli %arg1, %mul3A_86 : i32
    "tpu.region"() ({
      %run_scoped3A = tpu.sem_alloc : memref<!tpu.dma_semaphore, #tpu.memory_space<semaphore_mem>>
      %dma_start3A_94 = arith.constant 0 : i32
      %dma_start3A_95 = tpu.memref_slice %arg5[%arg0, %mul3A_87, %dma_start3A_94] : memref<2x10240x128xf32, #tpu.memory_space<hbm>> -> memref<1x320x128xf32, #tpu.memory_space<hbm>>
      %dma_start3A_96 = tpu.memref_squeeze %dma_start3A_95 : memref<1x320x128xf32, #tpu.memory_space<hbm>> -> memref<320x128xf32, #tpu.memory_space<hbm>>
      %dma_start3A_97 = arith.constant 0 : i32
      %dma_start3A_98 = tpu.memref_slice %arg14[%mul3A_85, %dma_start3A_97] : memref<5376x128xf32, #tpu.memory_space<vmem_shared>> -> memref<320x128xf32, #tpu.memory_space<vmem_shared>>
      tpu.enqueue_dma source(%dma_start3A_98 : memref<320x128xf32, #tpu.memory_space<vmem_shared>>) target(%dma_start3A_96 : memref<320x128xf32, #tpu.memory_space<hbm>>) target_semaphore(%run_scoped3A : memref<!tpu.dma_semaphore, #tpu.memory_space<semaphore_mem>>)
      %dma_wait3A_99 = arith.constant 0 : i32
      %dma_wait3A_100 = tpu.memref_slice %arg5[%arg0, %mul3A_87, %dma_wait3A_99] : memref<2x10240x128xf32, #tpu.memory_space<hbm>> -> memref<1x320x128xf32, #tpu.memory_space<hbm>>
      %dma_wait3A_101 = tpu.memref_squeeze %dma_wait3A_100 : memref<1x320x128xf32, #tpu.memory_space<hbm>> -> memref<320x128xf32, #tpu.memory_space<hbm>>
      %dma_wait3A_102 = arith.constant 0 : i32
      %dma_wait3A_103 = tpu.memref_slice %arg14[%mul3A_85, %dma_wait3A_102] : memref<5376x128xf32, #tpu.memory_space<vmem_shared>> -> memref<320x128xf32, #tpu.memory_space<vmem_shared>>
      tpu.wait_dma2 semaphore(%run_scoped3A : memref<!tpu.dma_semaphore, #tpu.memory_space<semaphore_mem>>) src(%dma_wait3A_103 : memref<320x128xf32, #tpu.memory_space<vmem_shared>>) dst(%dma_wait3A_101 : memref<320x128xf32, #tpu.memory_space<hbm>>)
      tpu.yield
    }) : () -> ()
    %mul3A_88 = arith.constant 320 : i32
    %mul3A_89 = arith.muli %arg1, %mul3A_88 : i32
    %mul3A_90 = arith.constant 320 : i32
    %mul3A_91 = arith.muli %arg1, %mul3A_90 : i32
    %add3A_92 = arith.constant 5120 : i32
    %add3A_93 = arith.addi %add3A_92, %mul3A_91 : i32
    "tpu.region"() ({
      %run_scoped3A = tpu.sem_alloc : memref<!tpu.dma_semaphore, #tpu.memory_space<semaphore_mem>>
      %dma_start3A_94 = arith.constant 0 : i32
      %dma_start3A_95 = tpu.memref_slice %arg5[%arg0, %add3A_93, %dma_start3A_94] : memref<2x10240x128xf32, #tpu.memory_space<hbm>> -> memref<1x320x128xf32, #tpu.memory_space<hbm>>
      %dma_start3A_96 = tpu.memref_squeeze %dma_start3A_95 : memref<1x320x128xf32, #tpu.memory_space<hbm>> -> memref<320x128xf32, #tpu.memory_space<hbm>>
      %dma_start3A_97 = arith.constant 0 : i32
      %dma_start3A_98 = tpu.memref_slice %arg15[%mul3A_89, %dma_start3A_97] : memref<5376x128xf32, #tpu.memory_space<vmem_shared>> -> memref<320x128xf32, #tpu.memory_space<vmem_shared>>
      tpu.enqueue_dma source(%dma_start3A_98 : memref<320x128xf32, #tpu.memory_space<vmem_shared>>) target(%dma_start3A_96 : memref<320x128xf32, #tpu.memory_space<hbm>>) target_semaphore(%run_scoped3A : memref<!tpu.dma_semaphore, #tpu.memory_space<semaphore_mem>>)
      %dma_wait3A_99 = arith.constant 0 : i32
      %dma_wait3A_100 = tpu.memref_slice %arg5[%arg0, %add3A_93, %dma_wait3A_99] : memref<2x10240x128xf32, #tpu.memory_space<hbm>> -> memref<1x320x128xf32, #tpu.memory_space<hbm>>
      %dma_wait3A_101 = tpu.memref_squeeze %dma_wait3A_100 : memref<1x320x128xf32, #tpu.memory_space<hbm>> -> memref<320x128xf32, #tpu.memory_space<hbm>>
      %dma_wait3A_102 = arith.constant 0 : i32
      %dma_wait3A_103 = tpu.memref_slice %arg15[%mul3A_89, %dma_wait3A_102] : memref<5376x128xf32, #tpu.memory_space<vmem_shared>> -> memref<320x128xf32, #tpu.memory_space<vmem_shared>>
      tpu.wait_dma2 semaphore(%run_scoped3A : memref<!tpu.dma_semaphore, #tpu.memory_space<semaphore_mem>>) src(%dma_wait3A_103 : memref<320x128xf32, #tpu.memory_space<vmem_shared>>) dst(%dma_wait3A_101 : memref<320x128xf32, #tpu.memory_space<hbm>>)
      tpu.yield
    }) : () -> ()
    return
  }
}

#map = affine_map<(d0, d1) -> (0)>
#map1 = affine_map<(d0, d1) -> (0, 0)>
module attributes {stable_mosaic.version = 14 : i64} {
  func.func @_deg_parts(%arg0: i32, %arg1: i32, %arg2: memref<320000xi32, #tpu.memory_space<hbm>>, %arg3: memref<32x10000xf32, #tpu.memory_space<hbm>>, %arg4: memref<10000xi32, #tpu.memory_space<vmem>>, %arg5: memref<10000xf32, #tpu.memory_space<vmem>>) attributes {dimension_semantics = [#tpu.dimension_semantics<core_parallel>, #tpu.dimension_semantics<subcore_parallel>], iteration_bounds = array<i64: 2, 16>, scalar_prefetch = 0 : i64, scratch_operands = 2 : i64, tpu.core_type = #tpu.core_type<sc_vector_subcore>, window_params = [{transform_indices = #map}, {transform_indices = #map1}]} {
    %mul3A = arith.constant 2 : i32
    %mul3A_0 = arith.muli %arg1, %mul3A : i32
    %add3A = arith.addi %mul3A_0, %arg0 : i32
    %broadcast_in_dim3A = arith.constant 0.000000e+00 : f32
    %broadcast_in_dim3A_1 = vector.broadcast %broadcast_in_dim3A : f32 to vector<16xf32>
    %scan3A = arith.constant 0 : i32
    %scan3A_2 = arith.constant 0 : i32
    %scan3A_3 = arith.constant 625 : i32
    %scan3A_4 = arith.addi %scan3A_2, %scan3A_3 : i32
    %scan3A_5 = arith.constant 1 : i32
    scf.for %scan3A_17 = %scan3A_2 to %scan3A_4 step %scan3A_5  : i32 {
      %mul3A_18 = arith.constant 16 : i32
      %mul3A_19 = arith.muli %scan3A_17, %mul3A_18 : i32
      %swap3A = arith.index_cast %mul3A_19 : i32 to index
      %swap3A_20 = tpu.vector_load %arg5[%swap3A] {strides = array<i32>} : memref<10000xf32, #tpu.memory_space<vmem>>, vector<16xf32>,
      tpu.vector_store %arg5[%swap3A], %broadcast_in_dim3A_1 {strides = array<i32>} : memref<10000xf32, #tpu.memory_space<vmem>>, vector<16xf32>,
    }
    %scan3A_6 = arith.constant 625 : i32
    %mul3A_7 = arith.constant 10000 : i32
    %mul3A_8 = arith.muli %add3A, %mul3A_7 : i32
    "tpu.region"() ({
      %run_scoped3A = tpu.sem_alloc : memref<!tpu.dma_semaphore, #tpu.memory_space<semaphore_mem>>
      %dma_start3A = tpu.memref_slice %arg2[%mul3A_8] : memref<320000xi32, #tpu.memory_space<hbm>> -> memref<10000xi32, #tpu.memory_space<hbm>>
      %dma_start3A_17 = tpu.memref_slice %arg2[%mul3A_8] : memref<320000xi32, #tpu.memory_space<hbm>> -> memref<10000xi32, #tpu.memory_space<hbm>>
      tpu.enqueue_dma source(%dma_start3A_17 : memref<10000xi32, #tpu.memory_space<hbm>>) target(%arg4 : memref<10000xi32, #tpu.memory_space<vmem>>) target_semaphore(%run_scoped3A : memref<!tpu.dma_semaphore, #tpu.memory_space<semaphore_mem>>)
      %dma_wait3A = tpu.memref_slice %arg2[%mul3A_8] : memref<320000xi32, #tpu.memory_space<hbm>> -> memref<10000xi32, #tpu.memory_space<hbm>>
      %dma_wait3A_18 = tpu.memref_slice %arg2[%mul3A_8] : memref<320000xi32, #tpu.memory_space<hbm>> -> memref<10000xi32, #tpu.memory_space<hbm>>
      tpu.wait_dma2 semaphore(%run_scoped3A : memref<!tpu.dma_semaphore, #tpu.memory_space<semaphore_mem>>) src(%dma_wait3A_18 : memref<10000xi32, #tpu.memory_space<hbm>>) dst(%arg4 : memref<10000xi32, #tpu.memory_space<vmem>>)
      tpu.yield
    }) : () -> ()
    %broadcast_in_dim3A_9 = arith.constant 1.000000e+00 : f32
    %broadcast_in_dim3A_10 = vector.broadcast %broadcast_in_dim3A_9 : f32 to vector<16xf32>
    %scan3A_11 = arith.constant 0 : i32
    %scan3A_12 = arith.constant 0 : i32
    %scan3A_13 = arith.constant 625 : i32
    %scan3A_14 = arith.addi %scan3A_12, %scan3A_13 : i32
    %scan3A_15 = arith.constant 1 : i32
    scf.for %scan3A_17 = %scan3A_12 to %scan3A_14 step %scan3A_15  : i32 {
      %mul3A_18 = arith.constant 16 : i32
      %mul3A_19 = arith.muli %scan3A_17, %mul3A_18 : i32
      %get3A = arith.index_cast %mul3A_19 : i32 to index
      %get3A_20 = tpu.vector_load %arg4[%get3A] {strides = array<i32>} : memref<10000xi32, #tpu.memory_space<vmem>>, vector<16xi32>,
      tpu.vector_store_idx %arg5[%get3A_20], %broadcast_in_dim3A_10 {add = true} : memref<10000xf32, #tpu.memory_space<vmem>>[vector<16xi32>], vector<16xf32>,
    }
    %scan3A_16 = arith.constant 625 : i32
    "tpu.region"() ({
      %run_scoped3A = tpu.sem_alloc : memref<!tpu.dma_semaphore, #tpu.memory_space<semaphore_mem>>
      %dma_start3A = arith.constant 0 : i32
      %dma_start3A_17 = tpu.memref_slice %arg3[%add3A, %dma_start3A] : memref<32x10000xf32, #tpu.memory_space<hbm>> -> memref<1x10000xf32, #tpu.memory_space<hbm>>
      %dma_start3A_18 = tpu.memref_squeeze %dma_start3A_17 : memref<1x10000xf32, #tpu.memory_space<hbm>> -> memref<10000xf32, #tpu.memory_space<hbm>>
      %dma_start3A_19 = arith.constant 0 : i32
      %dma_start3A_20 = tpu.memref_slice %arg3[%add3A, %dma_start3A_19] : memref<32x10000xf32, #tpu.memory_space<hbm>> -> memref<1x10000xf32, #tpu.memory_space<hbm>>
      %dma_start3A_21 = tpu.memref_squeeze %dma_start3A_20 : memref<1x10000xf32, #tpu.memory_space<hbm>> -> memref<10000xf32, #tpu.memory_space<hbm>>
      tpu.enqueue_dma source(%arg5 : memref<10000xf32, #tpu.memory_space<vmem>>) target(%dma_start3A_21 : memref<10000xf32, #tpu.memory_space<hbm>>) target_semaphore(%run_scoped3A : memref<!tpu.dma_semaphore, #tpu.memory_space<semaphore_mem>>)
      %dma_wait3A = arith.constant 0 : i32
      %dma_wait3A_22 = tpu.memref_slice %arg3[%add3A, %dma_wait3A] : memref<32x10000xf32, #tpu.memory_space<hbm>> -> memref<1x10000xf32, #tpu.memory_space<hbm>>
      %dma_wait3A_23 = tpu.memref_squeeze %dma_wait3A_22 : memref<1x10000xf32, #tpu.memory_space<hbm>> -> memref<10000xf32, #tpu.memory_space<hbm>>
      %dma_wait3A_24 = arith.constant 0 : i32
      %dma_wait3A_25 = tpu.memref_slice %arg3[%add3A, %dma_wait3A_24] : memref<32x10000xf32, #tpu.memory_space<hbm>> -> memref<1x10000xf32, #tpu.memory_space<hbm>>
      %dma_wait3A_26 = tpu.memref_squeeze %dma_wait3A_25 : memref<1x10000xf32, #tpu.memory_space<hbm>> -> memref<10000xf32, #tpu.memory_space<hbm>>
      tpu.wait_dma2 semaphore(%run_scoped3A : memref<!tpu.dma_semaphore, #tpu.memory_space<semaphore_mem>>) src(%arg5 : memref<10000xf32, #tpu.memory_space<vmem>>) dst(%dma_wait3A_26 : memref<10000xf32, #tpu.memory_space<hbm>>)
      tpu.yield
    }) : () -> ()
    return
  }
}

module attributes {stable_mosaic.version = 14 : i64} {
  func.func @_bn_body(%arg0: memref<2x10240x128xf32, #tpu.memory_space<vmem>>, %arg1: memref<10000x128xf32, #tpu.memory_space<vmem>>, %arg2: memref<10000x32xf32, #tpu.memory_space<vmem>>, %arg3: memref<1x128xf32, #tpu.memory_space<vmem>>, %arg4: memref<1x128xf32, #tpu.memory_space<vmem>>, %arg5: memref<1x128xf32, #tpu.memory_space<vmem>>, %arg6: memref<10000x128xf32, #tpu.memory_space<vmem>>) attributes {dimension_semantics = [], scalar_prefetch = 0 : i64, scratch_operands = 0 : i64, tpu.core_type = #tpu.core_type<tc>} {
    %get3A = arith.constant 0 : index
    %get3A_0 = arith.constant 0 : index
    %get3A_1 = vector.load %arg2[%get3A, %get3A_0] : memref<10000x32xf32, #tpu.memory_space<vmem>>, vector<10000x32xf32>
    %reduce_sum3A = arith.constant dense<0.000000e+00> : vector<10000xf32>
    %reduce_sum3A_2 = vector.multi_reduction <add>, %get3A_1, %reduce_sum3A [1] : vector<10000x32xf32> to vector<10000xf32>
    %broadcast_in_dim3A = vector.shape_cast %reduce_sum3A_2 : vector<10000xf32> to vector<10000x1xf32>
    %add3A = arith.constant 1.000000e+00 : f32
    %add3A_3 = vector.broadcast %add3A : f32 to vector<10000x1xf32>
    %add3A_4 = arith.addf %broadcast_in_dim3A, %add3A_3 : vector<10000x1xf32>
    %rsqrt3A = math.rsqrt %add3A_4 : vector<10000x1xf32>
    %get3A_5 = arith.constant 0 : index
    %get3A_6 = arith.constant 0 : index
    %get3A_7 = arith.constant 0 : index
    %get3A_8 = vector.load %arg0[%get3A_5, %get3A_6, %get3A_7] : memref<2x10240x128xf32, #tpu.memory_space<vmem>>, vector<1x10000x128xf32>
    %get3A_9 = vector.shape_cast %get3A_8 : vector<1x10000x128xf32> to vector<10000x128xf32>
    %get3A_10 = arith.constant 1 : index
    %get3A_11 = arith.constant 0 : index
    %get3A_12 = arith.constant 0 : index
    %get3A_13 = vector.load %arg0[%get3A_10, %get3A_11, %get3A_12] : memref<2x10240x128xf32, #tpu.memory_space<vmem>>, vector<1x10000x128xf32>
    %get3A_14 = vector.shape_cast %get3A_13 : vector<1x10000x128xf32> to vector<10000x128xf32>
    %add3A_15 = arith.addf %get3A_9, %get3A_14 : vector<10000x128xf32>
    %get3A_16 = arith.constant 0 : index
    %get3A_17 = arith.constant 0 : index
    %get3A_18 = vector.load %arg1[%get3A_16, %get3A_17] : memref<10000x128xf32, #tpu.memory_space<vmem>>, vector<10000x128xf32>
    %add3A_19 = arith.addf %add3A_15, %get3A_18 : vector<10000x128xf32>
    %mul3A = vector.broadcast %rsqrt3A : vector<10000x1xf32> to vector<10000x128xf32>
    %mul3A_20 = arith.mulf %add3A_19, %mul3A : vector<10000x128xf32>
    %get3A_21 = arith.constant 0 : index
    %get3A_22 = arith.constant 0 : index
    %get3A_23 = vector.load %arg3[%get3A_21, %get3A_22] : memref<1x128xf32, #tpu.memory_space<vmem>>, vector<1x128xf32>
    %add3A_24 = vector.broadcast %get3A_23 : vector<1x128xf32> to vector<10000x128xf32>
    %add3A_25 = arith.addf %mul3A_20, %add3A_24 : vector<10000x128xf32>
    %reduce_sum3A_26 = arith.constant dense<0.000000e+00> : vector<128xf32>
    %reduce_sum3A_27 = vector.multi_reduction <add>, %add3A_25, %reduce_sum3A_26 [0] : vector<10000x128xf32> to vector<128xf32>
    %broadcast_in_dim3A_28 = vector.shape_cast %reduce_sum3A_27 : vector<128xf32> to vector<1x128xf32>
    %div3A = arith.constant 1.000000e+04 : f32
    %div3A_29 = vector.broadcast %div3A : f32 to vector<1x128xf32>
    %div3A_30 = arith.divf %broadcast_in_dim3A_28, %div3A_29 : vector<1x128xf32>
    %mul3A_31 = arith.mulf %add3A_25, %add3A_25 : vector<10000x128xf32>
    %reduce_sum3A_32 = arith.constant dense<0.000000e+00> : vector<128xf32>
    %reduce_sum3A_33 = vector.multi_reduction <add>, %mul3A_31, %reduce_sum3A_32 [0] : vector<10000x128xf32> to vector<128xf32>
    %broadcast_in_dim3A_34 = vector.shape_cast %reduce_sum3A_33 : vector<128xf32> to vector<1x128xf32>
    %div3A_35 = arith.constant 1.000000e+04 : f32
    %div3A_36 = vector.broadcast %div3A_35 : f32 to vector<1x128xf32>
    %div3A_37 = arith.divf %broadcast_in_dim3A_34, %div3A_36 : vector<1x128xf32>
    %mul3A_38 = arith.mulf %div3A_30, %div3A_30 : vector<1x128xf32>
    %sub3A = arith.subf %div3A_37, %mul3A_38 : vector<1x128xf32>
    %get3A_39 = arith.constant 0 : index
    %get3A_40 = arith.constant 0 : index
    %get3A_41 = vector.load %arg4[%get3A_39, %get3A_40] : memref<1x128xf32, #tpu.memory_space<vmem>>, vector<1x128xf32>
    %sub3A_42 = vector.broadcast %div3A_30 : vector<1x128xf32> to vector<10000x128xf32>
    %sub3A_43 = arith.subf %add3A_25, %sub3A_42 : vector<10000x128xf32>
    %add3A_44 = arith.constant 9.99999974E-6 : f32
    %add3A_45 = vector.broadcast %add3A_44 : f32 to vector<1x128xf32>
    %add3A_46 = arith.addf %sub3A, %add3A_45 : vector<1x128xf32>
    %rsqrt3A_47 = math.rsqrt %add3A_46 : vector<1x128xf32>
    %mul3A_48 = vector.broadcast %rsqrt3A_47 : vector<1x128xf32> to vector<10000x128xf32>
    %mul3A_49 = arith.mulf %sub3A_43, %mul3A_48 : vector<10000x128xf32>
    %mul3A_50 = vector.broadcast %get3A_41 : vector<1x128xf32> to vector<10000x128xf32>
    %mul3A_51 = arith.mulf %mul3A_50, %mul3A_49 : vector<10000x128xf32>
    %get3A_52 = arith.constant 0 : index
    %get3A_53 = arith.constant 0 : index
    %get3A_54 = vector.load %arg5[%get3A_52, %get3A_53] : memref<1x128xf32, #tpu.memory_space<vmem>>, vector<1x128xf32>
    %add3A_55 = vector.broadcast %get3A_54 : vector<1x128xf32> to vector<10000x128xf32>
    %add3A_56 = arith.addf %mul3A_51, %add3A_55 : vector<10000x128xf32>
    %swap3A = arith.constant 0 : index
    %swap3A_57 = arith.constant 0 : index
    %swap3A_58 = vector.load %arg6[%swap3A, %swap3A_57] : memref<10000x128xf32, #tpu.memory_space<vmem>>, vector<10000x128xf32>
    tpu.vector_store %arg6[%swap3A, %swap3A_57], %add3A_56 {strides = array<i32>} : memref<10000x128xf32, #tpu.memory_space<vmem>>, vector<10000x128xf32>,
    return
  }
}

module attributes {stable_mosaic.version = 14 : i64} {
  func.func @_linear_body(%arg0: memref<10000x128xf32, #tpu.memory_space<vmem>>, %arg1: memref<128x128xf32, #tpu.memory_space<vmem>>, %arg2: memref<10000x32xf32, #tpu.memory_space<vmem>>, %arg3: memref<10000x128xf32, #tpu.memory_space<vmem>>) attributes {dimension_semantics = [], scalar_prefetch = 0 : i64, scratch_operands = 0 : i64, tpu.core_type = #tpu.core_type<tc>} {
    %get3A = arith.constant 0 : index
    %get3A_0 = arith.constant 0 : index
    %get3A_1 = vector.load %arg2[%get3A, %get3A_0] : memref<10000x32xf32, #tpu.memory_space<vmem>>, vector<10000x32xf32>
    %reduce_sum3A = arith.constant dense<0.000000e+00> : vector<10000xf32>
    %reduce_sum3A_2 = vector.multi_reduction <add>, %get3A_1, %reduce_sum3A [1] : vector<10000x32xf32> to vector<10000xf32>
    %broadcast_in_dim3A = vector.shape_cast %reduce_sum3A_2 : vector<10000xf32> to vector<10000x1xf32>
    %add3A = arith.constant 1.000000e+00 : f32
    %add3A_3 = vector.broadcast %add3A : f32 to vector<10000x1xf32>
    %add3A_4 = arith.addf %broadcast_in_dim3A, %add3A_3 : vector<10000x1xf32>
    %rsqrt3A = math.rsqrt %add3A_4 : vector<10000x1xf32>
    %get3A_5 = arith.constant 0 : index
    %get3A_6 = arith.constant 0 : index
    %get3A_7 = vector.load %arg0[%get3A_5, %get3A_6] : memref<10000x128xf32, #tpu.memory_space<vmem>>, vector<10000x128xf32>
    %get3A_8 = arith.constant 0 : index
    %get3A_9 = arith.constant 0 : index
    %get3A_10 = vector.load %arg1[%get3A_8, %get3A_9] : memref<128x128xf32, #tpu.memory_space<vmem>>, vector<128x128xf32>
    %dot_general3A = arith.constant dense<0.000000e+00> : vector<10000x128xf32>
    %dot_general3A_11 = tpu.matmul %get3A_7, %get3A_10, %dot_general3A {dimension_numbers = #tpu.dot_dimension_numbers<[1], [0], [0], [1], [0, 0, 1, 1], [], []>, transpose_lhs_hint = false} : vector<10000x128xf32>, vector<128x128xf32>, vector<10000x128xf32> -> vector<10000x128xf32>
    %mul3A = vector.broadcast %rsqrt3A : vector<10000x1xf32> to vector<10000x128xf32>
    %mul3A_12 = arith.mulf %dot_general3A_11, %mul3A : vector<10000x128xf32>
    %swap3A = arith.constant 0 : index
    %swap3A_13 = arith.constant 0 : index
    %swap3A_14 = vector.load %arg3[%swap3A, %swap3A_13] : memref<10000x128xf32, #tpu.memory_space<vmem>>, vector<10000x128xf32>
    tpu.vector_store %arg3[%swap3A, %swap3A_13], %mul3A_12 {strides = array<i32>} : memref<10000x128xf32, #tpu.memory_space<vmem>>, vector<10000x128xf32>,
    return
  }
}

</mosaic_0001>

<sc_bundles>
// kernel: kernel.6.cloned.1.call-start
scs
__scs_entry_jumppad:
0x0: {  	(pc) =	sbr.rel $0x88, $3  }
0x1: {  	(tag) =	ssettag $0x0;
	lr =	simm.s32 $0x1  }
0x2: {  	[smem:$0x3F9B] =	sst lr;
	_ =	strace $0xD0000000  }
0x3: {  	_ = 	snop  }
0x4: {  	_ = 	snop  }
0x5: {  	_ = 	snop  }
0x6: {  	_ = 	snop  }
0x7: {  	_ = 	snop  }
__scs_overlays_trampoline_lowered:
0x8: {  	[smem:$0x3FAA] =	sst s0  }
0x9: {  	[smem:$0x3FAB] =	sst s1  }
0xa: {  	[smem:$0x3FAC] =	sst s2  }
0xb: {  	[smem:$0x3FAD] =	sst s3  }
0xc: {  	[smem:$0x3FAE] =	sst s4  }
0xd: {  	[smem:$0x3FAF] =	sst s5  }
0xe: {  	[smem:$0x3FB0] =	sst s6  }
0xf: {  	[smem:$0x3FB1] =	sst s7  }
0x10: {  	[smem:$0x3FB2] =	sst s8  }
0x11: {  	[smem:$0x3FB3] =	sst s9;
	s0 =	simm.s32 @!p0 $0x0  }
0x12: {  	s1 =	sld [smem:$0x3F99];
	s0 =	simm.s32 @p0 $0x1  }
0x13: {  	[smem:$0x3FB4] =	sst s0;
	s0 =	simm.s32 @!p1 $0x0  }
0x14: {  	s2 =	sld [smem:$0x3F98];
	s0 =	simm.s32 @p1 $0x1  }
0x15: {  	[smem:$0x3FB5] =	sst s0;
	s0 =	simm.s32 @!p2 $0x0  }
0x16: {  	s3 =	sld [smem:$0x3FDB];
	s0 =	simm.s32 @p2 $0x1  }
0x17: {  	s4 =	simm.s32 $0x1BF5;
	[smem:$0x3FB7] =	sst s0  }
0x18: {  	s0 =	sld [smem:$0x3F9A];
	_ =	swait.ge [sflag:s4], $0x0  }
0x19: {  	s7 =	sld [smem:$0x3F9B]  }
0x1a: {  	s8 =	sadd.s32 $0xFFFFE003, lr  }
0x1b: {  	s9 =	sadd.s32 $0xFFFFFEF7, lr;
	s5 =	simm.s32 $0xFFFFFFFF;
	p2 =	slt.u32 s8, $0xFFFFF086  }
0x1c: {  	p1 =	slt.u32 s9, $0xF7A;
	s5 =	simm.s32 @!p2 $0x0  }
0x1d: {  	s5 =	simm.s32 @p1 $0x1;
	p0 =	seq.s32 s7, s2  }
0x1e: {  	s7 =	smul.u32 @!p0 $0xF7A, s2;
	p2 =	seq.s32 @!p0 s5, $0x0  }
0x1f: {  	s9 =	smul.u32 $0xF7A, s1;
	s8 =	simm.s32 @!p0 $0x1BF5;
	p2 =	por !p2, p0  }
0x20: {  	[sflag:s8] =	ssyncset.s32 @!p0 $0xFFFFF086;
	s6 =	sadd.s32 @!p0 s3, s7;
	s7 =	simm.s32 @!p0 $0x108  }
0x21: {  	s3 =	sadd.s32 s3, s9;
	s6 =	sadd.s32 @!p0 $0x88, s6;
	s7 =	simm.s32 @p2 $0x1082  }
0x22: {  	[simem:s7], [sflag:s8] =	dma.local @!p0 [hbm:s6], $0xF7A  }
0x23: {  	s9 =	sor.u32 $0xD0000000, s2;
	s6 =	simm.s32 $0x108;
	_ =	swait.ge @!p0 [sflag:s8], $0x0  }
0x24: {  	s3 =	sadd.s32 $0x88, s3;
	s6 =	simm.s32 @!p1 $0x1082;
	[sflag:s4] =	ssyncset.s32 $0xFFFFF086  }
0x25: {  	[simem:s6], [sflag:s4] =	dma.local [hbm:s3], $0xF7A  }
0x26: {  	[smem:$0x3F9B] =	sst s1;
	(tag) =	ssettag s2;
	_ =	strace s9  }
0x27: {  	s1 =	sld [smem:$0x3FAB]  }
0x28: {  	s2 =	sld [smem:$0x3FAC]  }
0x29: {  	s4 =	sld [smem:$0x3FAE]  }
0x2a: {  	p0 =	seq.s32 s5, $0x0;
	s5 =	sld [smem:$0x3FAF]  }
0x2b: {  	s6 =	sld [smem:$0x3FB0]  }
0x2c: {  	s7 =	sld [smem:$0x3FB1]  }
0x2d: {  	s3 =	simm.s32 $0x108;
	s8 =	sld [smem:$0x3FB2]  }
0x2e: {  	s3 =	simm.s32 @!p0 $0x1082;
	s9 =	sld [smem:$0x3FB3]  }
0x2f: {  	lr =	sadd.s32 s0, s3;
	s0 =	sld [smem:$0x3FAA]  }
0x30: {  	s3 =	sld [smem:$0x3FAD]  }
0x31: {  	[smem:$0x3FB6] =	sst s10  }
0x32: {  	s10 =	sld [smem:$0x3FB4];
	_ =	sdelay $0x3  }
0x33: {  	p0 =	seq.s32 s10, $0x1;
	s10 =	sld [smem:$0x3FB6];
	_ =	sdelay $0x3  }
0x34: {  	[smem:$0x3FB6] =	sst s10  }
0x35: {  	s10 =	sld [smem:$0x3FB5];
	_ =	sdelay $0x3  }
0x36: {  	p1 =	seq.s32 s10, $0x1;
	s10 =	sld [smem:$0x3FB6];
	_ =	sdelay $0x3  }
0x37: {  	[smem:$0x3FB6] =	sst s10  }
0x38: {  	s10 =	sld [smem:$0x3FB7]  }
0x39: {  	_ = 	snop;
	(pc) =	sbr.ind lr, $3  }
0x3a: {  	_ = 	snop  }
0x3b: {  	_ = 	snop  }
0x3c: {  	p2 =	seq.s32 s10, $0x1;
	s10 =	sld [smem:$0x3FB6]  }
0x3d: {  	_ =	shalt  }
0x3e: {  	_ =	shalt  }
0x3f: {  	_ =	shalt  }
0x40: {  	_ =	shalt  }
0x41: {  	_ =	shalt  }
0x42: {  	_ =	shalt  }
0x43: {  	_ =	shalt  }
0x44: {  	_ =	shalt  }
0x45: {  	_ =	shalt  }
0x46: {  	_ =	shalt  }
0x47: {  	_ =	shalt  }
0x48: {  	_ =	shalt  }
0x49: {  	_ =	shalt  }
0x4a: {  	_ =	shalt  }
0x4b: {  	_ =	shalt  }
0x4c: {  	_ =	shalt  }
0x4d: {  	_ =	shalt  }
0x4e: {  	_ =	shalt  }
0x4f: {  	_ =	shalt  }
0x50: {  	_ =	shalt  }
0x51: {  	_ =	shalt  }
0x52: {  	_ =	shalt  }
0x53: {  	_ =	shalt  }
0x54: {  	_ =	shalt  }
0x55: {  	_ =	shalt  }
0x56: {  	_ =	shalt  }
0x57: {  	_ =	shalt  }
0x58: {  	_ =	shalt  }
0x59: {  	_ =	shalt  }
0x5a: {  	_ =	shalt  }
0x5b: {  	_ =	shalt  }
0x5c: {  	_ =	shalt  }
0x5d: {  	_ =	shalt  }
0x5e: {  	_ =	shalt  }
0x5f: {  	_ =	shalt  }
0x60: {  	_ =	shalt  }
0x61: {  	_ =	shalt  }
0x62: {  	_ =	shalt  }
0x63: {  	_ =	shalt  }
0x64: {  	_ =	shalt  }
0x65: {  	_ =	shalt  }
0x66: {  	_ =	shalt  }
0x67: {  	_ =	shalt  }
0x68: {  	_ =	shalt  }
0x69: {  	_ =	shalt  }
0x6a: {  	_ =	shalt  }
0x6b: {  	_ =	shalt  }
0x6c: {  	_ =	shalt  }
0x6d: {  	_ =	shalt  }
0x6e: {  	_ =	shalt  }
0x6f: {  	_ =	shalt  }
0x70: {  	_ =	shalt  }
0x71: {  	_ =	shalt  }
0x72: {  	_ =	shalt  }
0x73: {  	_ =	shalt  }
0x74: {  	_ =	shalt  }
0x75: {  	_ =	shalt  }
0x76: {  	_ =	shalt  }
0x77: {  	_ =	shalt  }
0x78: {  	_ =	shalt  }
0x79: {  	_ =	shalt  }
0x7a: {  	_ =	shalt  }
0x7b: {  	_ =	shalt  }
0x7c: {  	_ =	shalt  }
0x7d: {  	_ =	shalt  }
0x7e: {  	_ =	shalt  }
0x7f: {  	_ =	shalt  }
0x80: {  	_ =	shalt  }
0x81: {  	_ =	shalt  }
0x82: {  	_ =	shalt  }
0x83: {  	_ =	shalt  }
0x84: {  	_ =	shalt  }
0x85: {  	_ =	shalt  }
0x86: {  	_ =	shalt  }
0x87: {  	_ =	shalt  }
.Lfunc_end0:
.L_simem_size_0:
called_computation_lowered:
.L_overlay_start_0:
0x88: {  	s2 =	sld [smem:$0x3FD9]  }
0x89: {  	s3 =	sld [smem:$0x3FFE];
	_ =	sdelay $0x1  }
0x8a: {  	s1 =	srdreg.scid  }
0x8b: {  	s0 =	sand.u32 $0x1, s1  }
0x8c: {  	s17 =	sshll.u32 s0, $0xA;
	s2 =	sadd.s32 s3, s2  }
0x8d: {  	s2 =	sadd.s32 s2, s17  }
0x8e: {  	[smem:$0x3FC2] =	sst s2  }
0x8f: {  	_ = 	snop  }
0x90: {  	s2 =	sld [smem:$0x3FD0];
	(tm) =	ssettm $0x1  }
0x91: {  	s18 =	sld [smem:$0x3FFB];
	_ =	sdelay $0x3  }
0x92: {  	_ =	strace s18  }
0x93: {  	s3 =	sld [smem:$0x3FFC];
	_ =	sdelay $0x3  }
0x94: {  	_ =	strace s3  }
0x95: {  	s3 =	sld [smem:$0x3FFD];
	_ =	sdelay $0x3  }
0x96: {  	_ =	strace s3  }
0x97: {  	_ =	strace $0x8FFFFFFF  }
0x98: {  	s19 =	sld [smem:$0x3FDB];
	_ =	sdelay $0x1  }
0x99: {  	s4 =	simm.s32 $_scs_section_size  }
0x9a: {  	s5 =	simm.s32 $_size__tile_overlayer_lowered;
	s6 =	simm.s32 $_tile_overlayer_lowered  }
0x9b: {  	s22 =	simm.s32 $0x1BFF;
	s21 =	sshll.u32 s6, $0x1;
	s3 =	sadd.s32 s4, s19  }
0x9c: {  	s7 =	simm.s32 $0x0;
	s20 =	sshll.u32 s5, $0x1;
	s5 =	sadd.s32 s21, s3  }
0x9d: {  	[timem:s7], [sflag:s22] =	dma.local [hbm:s5], s20  }
0x9e: {  	_ =	swait.ge [sflag:s22], s20  }
0x9f: {  	s4 =	ssub.s32 $0x0, s20;
	[sflag:s22] =	ssyncset.done $0x0  }
0xa0: {  	[sflag:s22] =	ssyncadd.s32 s4;
	_ =	sdelay $0x1  }
0xa1: {  	s23 =	simm.s32 $0x1B8B  }
0xa2: {  	_ =	swait.ge [sflag:s23], $0x1  }
0xa3: {  	[sflag:s23] =	ssyncset.done $0x0  }
0xa4: {  	s25 =	simm.s32 $0x1B8E;
	s24 =	sld [smem:$0x3FFE];
	[sflag:s23] =	ssyncadd.s32 $0xFFFFFFFF  }
0xa5: {  	s26 =	simm.s32 $execute0_lowered;
	[smem:$0x3FD2] =	sst s25  }
0xa6: {  	s5 =	sshll.u32 s26, $0x1;
	_ =	strace $0x80000046;
	[dreg:$0x1] =	wrdreg $0xFFFFFFFF  }
0xa7: {  	s28 =	simm.s32 $_size_execute0_lowered;
	s3 =	sadd.s32 s3, s5;
	[dreg:$0x0] =	wrdreg $0x0  }
0xa8: {  	s5 =	sshll.u32 s28, $0x1;
	[dreg:$0x2] =	wrdreg s3  }
0xa9: {  	[dreg:$0x3] =	wrdreg s5  }
0xaa: {  	[dreg:$0x4] =	wrdreg $0xC0  }
0xab: {  	_ =	task [dreg:s7], $0x5FFFF  }
0xac: {  	[dreg:$0x1] =	wrdreg $0xFFFFFFFF  }
0xad: {  	[dreg:$0x0] =	wrdreg $0x60  }
0xae: {  	[dreg:$0x2] =	wrdreg s24  }
0xaf: {  	[dreg:$0x3] =	wrdreg s2  }
0xb0: {  	[dreg:$0x4] =	wrdreg $0x9  }
0xb1: {  	_ =	task.clear_ibuf [dreg:s7], $0x5FFFF;
	_ =	strace $0x90000046  }
0xb2: {  	s29 =	simm.s32 $0x9;
	_ =	strace $0x80000048  }
0xb3: {  	_ =	swait.ge [sflag:s29], $0x1  }
0xb4: {  	[sflag:s29] =	ssyncadd.s32 $0xFFFFFFFF  }
0xb5: {  	_ =	strace $0x90000048  }
0xb6: {  	_ =	sfence  }
0xb7: {  	s30 =	sld [smem:$0x0];
	_ =	sdelay $0x2  }
0xb8: {  	s31 =	sshll.u32 s1, $0xD;
	s1 =	sshrl.u32 s1, $0x2  }
0xb9: {  	s3 =	sand.u32 $0x4000, s31;
	s1 =	sadd.s32 s1, s30  }
0xba: {  	s0 =	sor.u32 s3, s0;
	s1 =	sshll.u32 s1, $0x11  }
0xbb: {  	s0 =	sor.u32 s1, s0  }
0xbc: {  	s0 =	sadd.s32 $0x8F2B, s0  }
0xbd: {  	[sflag:s0] =	ssyncadd.remote.s32 $0x1  }
0xbe: {  	_ =	sfence.sel $0xFFFF  }
0xbf: {  	[dreg:$0x0] =	wrdreg $0xFFFFFFFF;
	(pc) =	sbr.abs _section_cstart, $3  }
0xc0: {  	[dreg:$0x1] =	wrdreg $0xFFFFFFFF  }
0xc1: {  	_ =	task.clear_ibuf [dreg:s7], $0x2FFFF;
	_ =	strace $0x9FFFFFFF  }
0xc2: {  	(tm) =	ssettm $0x7FFFFFFF  }
0xc3: {  	_ =	shalt  }
tec
execute0_lowered:
.L_overlay_start_1:
0x0: {  	(tag) =	ssettag $0x1  }
0x1: {  	s3 =	rddreg [dreg:$0x0];
	s1 =	srdreg.scid  }
0x2: {  	s0 =	stileid.u32;
	s4 =	rddreg [dreg:$0x1];
	s9 =	simm.s32 $0x400  }
0x3: {  	s5 =	sand.u32 $0x1, s1;
	s2 =	sshll.u32 s0, $0x1;
	s8 =	sshrl.u32 s0, $0x2  }
0x4: {  	s1 =	rddreg [dreg:$0x2];
	s6 =	sor.u32 s5, s2;
	s8 =	smul.u32 $0x13C00, s8  }
0x5: {  	s2 =	simm.s32 $0x0;
	s5 =	ssub.s32 $0x2, s5;
	s7 =	smul.u32 $0x4E2, s6  }
0x6: {  	[smem:$0x7FF] =	sst s2;
	s6 =	sshll.u32 s6, $0x7;
	s31 =	sshrl.u32 s5, $0x1  }
0x7: {  	_ =	strace $0x80000047;
	s6 =	sand.u32 $0x380, s6;
	s5 =	ssub.s32 s5, s31  }
0x8: {  	s3 =	sadd.s32 s7, s3;
	s6 =	sor.u32 s8, s6;
	s5 =	smax.u32 s5, $0x1  }
0x9: {  	s7 =	simm.s32 $0x2780;
	s8 =	simm.s32 $0x80;
	s6 =	sshrl.u32 s6, $0x3  }
0xa: {  	v0 =	vimm.f32 $0.0e+00;
	v1 =	vimm.f32 $1.000000000e+00;
	s3 =	sadd.s32 $0x1C00, s3;
	s4 =	sadd.s32 s4, s6;
	s6 =	simm.s32 $0x1  }
.LBB2_1:
0xb: {  	s10 =	simm.s32 $0x40;
	s11 =	simm.s32 $0x0  }
.LBB2_2:
0xc: {  	p0 =	sne.s32 s10, $0x9C00;
	[tilespmem:s11+$0x2780] =	vst v0;
	s11 =	smov.u32 s10;
	s10 =	sadd.s32 $0x40, s10  }
.Ltmp0:
0xd: {  	(pc) =	sbr.rel @p0 .LBB2_2-.Ltmp0, $2  }
0xe: {  	_ =	sdelay $0x2  }
0xf: {  	s11 =	sshra.s32 s11, $0x2  }
0x10: {  	[tilespmem:s11+$0x2780] =	vst v0;
	s10 =	simm.s32 $0x0  }
0x11: {  	[tilespmem:s10], [sflag:$0x1] =	stream.linear.gather [hbm4b:s3+s10], $0x2710, $0x38;
	[tilespmem:$0x4F00] =	vst v63  }
0x12: {  	_ =	swait.ge [sflag:s6], $0x2710  }
0x13: {  	[sflag:s6] =	ssyncset.done $0x0  }
0x14: {  	s11 =	simm.s32 $0x0;
	s10 =	simm.s32 $0x40;
	[sflag:s6] =	ssyncadd.s32 $0xFFFFD8F0  }
.LBB2_4:
0x15: {  	p0 =	sne.s32 s10, $0x9C00;
	v2 =	vld [tilespmem:s11+$0x0];
	_ =	sdelay $0x3  }
.Ltmp1:
0x16: {  	(pc) =	sbr.rel @p0 .LBB2_4-.Ltmp1, $2  }
0x17: {  	_ =	sdelay $0x2  }
0x18: {  	s11 =	sshra.s32 s10, $0x2;
	s10 =	sadd.s32 $0x40, s10;
	[tilespmem:v2+s7+$0x0] =	vst.idx.add.f32.msk $0xffff, v1  }
0x19: {  	v2 =	vld [tilespmem:s11+$0x0];
	_ =	sdelay $0x5  }
0x1a: {  	s2 =	sadd.s32 $0x1, s2  }
0x1b: {  	p0 =	sne.s32 s2, s5  }
.Ltmp2:
0x1c: {  	[tilespmem:v2+s7+$0x0] =	vst.idx.add.f32.msk $0xffff, v1;
	(pc) =	sbr.rel @p0 .LBB2_1-.Ltmp2, $4  }
0x1d: {  	[hbm4b:s4+s8] =	stream.strided.scatter [tilespmem:s7], [sflag:$0x1], $0x2780, s9, s8, $0x38;
	[tilespmem:$0x4F00] =	vst v63  }
0x1e: {  	_ =	swait.ge [sflag:s6], $0x2780  }
0x1f: {  	[sflag:s6] =	ssyncset.done $0x0  }
0x20: {  	[sflag:s6] =	ssyncadd.s32 $0xFFFFD880  }
0x21: {  	_ =	sfence.sel $0x180000  }
0x22: {  	[bflag:$0x0] =	sbarrier.arrive $0xFFFF  }
0x23: {  	p0 =	sne.s32 s0, $0x0;
	_ =	strace $0x90000047  }
0x24: {  	s0 =	sadd.s32 @!p0 $0x100000, s1;
	[bflag:$0x2] =	sbarrier.arrive $0xFFFF  }
0x25: {  	[sflag:s0] =	ssyncadd.tile.s32 @!p0 $0x1;
	_ =	shalt  }
.Lfunc_end2:
_tile_overlayer_lowered:
.L_overlay_start_2:
0x26: {  	(tag) =	ssettag $0x2  }
0x27: {  	s0 =	rddreg [dreg:$0x0];
	s2 =	stileid.u32  }
0x28: {  	s1 =	rddreg [dreg:$0x1];
	p0 =	sne.s32 s2, $0x0  }
0x29: {  	s3 =	rddreg [dreg:$0x2];
	[bflag:$0x3] =	sbarrier.arrive $0xFFFF;
	s2 =	simm.s32 @!p0 $0x1C01  }
0x2a: {  	[timem:s3], [sflag:s2] =	dma.local @!p0 [hbm:s0], s1  }
0x2b: {  	s0 =	simm.s32 @!p0 $0x1  }
0x2c: {  	_ =	swait.ge @!p0 [sflag:s0], s1  }
0x2d: {  	s1 =	ssub.s32 @!p0 $0x0, s1;
	[sflag:s0] =	ssyncset.done @!p0 $0x0  }
0x2e: {  	[sflag:s0] =	ssyncadd.s32 @!p0 s1  }
0x2f: {  	[bflag:$0x3] =	sbarrier.arrive $0xFFFF  }
0x30: {  	_ =	shalt  }

// kernel: kernel.9.cloned.1.call-start
scs
__scs_entry_jumppad:
0x0: {  	(pc) =	sbr.rel $0x88, $3  }
0x1: {  	(tag) =	ssettag $0x0;
	lr =	simm.s32 $0x1  }
0x2: {  	[smem:$0x3F9B] =	sst lr;
	_ =	strace $0xD0000000  }
0x3: {  	_ = 	snop  }
0x4: {  	_ = 	snop  }
0x5: {  	_ = 	snop  }
0x6: {  	_ = 	snop  }
0x7: {  	_ = 	snop  }
__scs_overlays_trampoline_lowered:
0x8: {  	[smem:$0x3FAA] =	sst s0  }
0x9: {  	[smem:$0x3FAB] =	sst s1  }
0xa: {  	[smem:$0x3FAC] =	sst s2  }
0xb: {  	[smem:$0x3FAD] =	sst s3  }
0xc: {  	[smem:$0x3FAE] =	sst s4  }
0xd: {  	[smem:$0x3FAF] =	sst s5  }
0xe: {  	[smem:$0x3FB0] =	sst s6  }
0xf: {  	[smem:$0x3FB1] =	sst s7  }
0x10: {  	[smem:$0x3FB2] =	sst s8  }
0x11: {  	[smem:$0x3FB3] =	sst s9;
	s0 =	simm.s32 @!p0 $0x0  }
0x12: {  	s1 =	sld [smem:$0x3F99];
	s0 =	simm.s32 @p0 $0x1  }
0x13: {  	[smem:$0x3FB4] =	sst s0;
	s0 =	simm.s32 @!p1 $0x0  }
0x14: {  	s2 =	sld [smem:$0x3F98];
	s0 =	simm.s32 @p1 $0x1  }
0x15: {  	[smem:$0x3FB5] =	sst s0;
	s0 =	simm.s32 @!p2 $0x0  }
0x16: {  	s3 =	sld [smem:$0x3FDB];
	s0 =	simm.s32 @p2 $0x1  }
0x17: {  	s4 =	simm.s32 $0x1BF5;
	[smem:$0x3FB7] =	sst s0  }
0x18: {  	s0 =	sld [smem:$0x3F9A];
	_ =	swait.ge [sflag:s4], $0x0  }
0x19: {  	s7 =	sld [smem:$0x3F9B]  }
0x1a: {  	s8 =	sadd.s32 $0xFFFFE003, lr  }
0x1b: {  	s9 =	sadd.s32 $0xFFFFFEF7, lr;
	s5 =	simm.s32 $0xFFFFFFFF;
	p2 =	slt.u32 s8, $0xFFFFF086  }
0x1c: {  	p1 =	slt.u32 s9, $0xF7A;
	s5 =	simm.s32 @!p2 $0x0  }
0x1d: {  	s5 =	simm.s32 @p1 $0x1;
	p0 =	seq.s32 s7, s2  }
0x1e: {  	s7 =	smul.u32 @!p0 $0xF7A, s2;
	p2 =	seq.s32 @!p0 s5, $0x0  }
0x1f: {  	s9 =	smul.u32 $0xF7A, s1;
	s8 =	simm.s32 @!p0 $0x1BF5;
	p2 =	por !p2, p0  }
0x20: {  	[sflag:s8] =	ssyncset.s32 @!p0 $0xFFFFF086;
	s6 =	sadd.s32 @!p0 s3, s7;
	s7 =	simm.s32 @!p0 $0x108  }
0x21: {  	s3 =	sadd.s32 s3, s9;
	s6 =	sadd.s32 @!p0 $0x88, s6;
	s7 =	simm.s32 @p2 $0x1082  }
0x22: {  	[simem:s7], [sflag:s8] =	dma.local @!p0 [hbm:s6], $0xF7A  }
0x23: {  	s9 =	sor.u32 $0xD0000000, s2;
	s6 =	simm.s32 $0x108;
	_ =	swait.ge @!p0 [sflag:s8], $0x0  }
0x24: {  	s3 =	sadd.s32 $0x88, s3;
	s6 =	simm.s32 @!p1 $0x1082;
	[sflag:s4] =	ssyncset.s32 $0xFFFFF086  }
0x25: {  	[simem:s6], [sflag:s4] =	dma.local [hbm:s3], $0xF7A  }
0x26: {  	[smem:$0x3F9B] =	sst s1;
	(tag) =	ssettag s2;
	_ =	strace s9  }
0x27: {  	s1 =	sld [smem:$0x3FAB]  }
0x28: {  	s2 =	sld [smem:$0x3FAC]  }
0x29: {  	s4 =	sld [smem:$0x3FAE]  }
0x2a: {  	p0 =	seq.s32 s5, $0x0;
	s5 =	sld [smem:$0x3FAF]  }
0x2b: {  	s6 =	sld [smem:$0x3FB0]  }
0x2c: {  	s7 =	sld [smem:$0x3FB1]  }
0x2d: {  	s3 =	simm.s32 $0x108;
	s8 =	sld [smem:$0x3FB2]  }
0x2e: {  	s3 =	simm.s32 @!p0 $0x1082;
	s9 =	sld [smem:$0x3FB3]  }
0x2f: {  	lr =	sadd.s32 s0, s3;
	s0 =	sld [smem:$0x3FAA]  }
0x30: {  	s3 =	sld [smem:$0x3FAD]  }
0x31: {  	[smem:$0x3FB6] =	sst s10  }
0x32: {  	s10 =	sld [smem:$0x3FB4];
	_ =	sdelay $0x3  }
0x33: {  	p0 =	seq.s32 s10, $0x1;
	s10 =	sld [smem:$0x3FB6];
	_ =	sdelay $0x3  }
0x34: {  	[smem:$0x3FB6] =	sst s10  }
0x35: {  	s10 =	sld [smem:$0x3FB5];
	_ =	sdelay $0x3  }
0x36: {  	p1 =	seq.s32 s10, $0x1;
	s10 =	sld [smem:$0x3FB6];
	_ =	sdelay $0x3  }
0x37: {  	[smem:$0x3FB6] =	sst s10  }
0x38: {  	s10 =	sld [smem:$0x3FB7]  }
0x39: {  	_ = 	snop;
	(pc) =	sbr.ind lr, $3  }
0x3a: {  	_ = 	snop  }
0x3b: {  	_ = 	snop  }
0x3c: {  	p2 =	seq.s32 s10, $0x1;
	s10 =	sld [smem:$0x3FB6]  }
0x3d: {  	_ =	shalt  }
0x3e: {  	_ =	shalt  }
0x3f: {  	_ =	shalt  }
0x40: {  	_ =	shalt  }
0x41: {  	_ =	shalt  }
0x42: {  	_ =	shalt  }
0x43: {  	_ =	shalt  }
0x44: {  	_ =	shalt  }
0x45: {  	_ =	shalt  }
0x46: {  	_ =	shalt  }
0x47: {  	_ =	shalt  }
0x48: {  	_ =	shalt  }
0x49: {  	_ =	shalt  }
0x4a: {  	_ =	shalt  }
0x4b: {  	_ =	shalt  }
0x4c: {  	_ =	shalt  }
0x4d: {  	_ =	shalt  }
0x4e: {  	_ =	shalt  }
0x4f: {  	_ =	shalt  }
0x50: {  	_ =	shalt  }
0x51: {  	_ =	shalt  }
0x52: {  	_ =	shalt  }
0x53: {  	_ =	shalt  }
0x54: {  	_ =	shalt  }
0x55: {  	_ =	shalt  }
0x56: {  	_ =	shalt  }
0x57: {  	_ =	shalt  }
0x58: {  	_ =	shalt  }
0x59: {  	_ =	shalt  }
0x5a: {  	_ =	shalt  }
0x5b: {  	_ =	shalt  }
0x5c: {  	_ =	shalt  }
0x5d: {  	_ =	shalt  }
0x5e: {  	_ =	shalt  }
0x5f: {  	_ =	shalt  }
0x60: {  	_ =	shalt  }
0x61: {  	_ =	shalt  }
0x62: {  	_ =	shalt  }
0x63: {  	_ =	shalt  }
0x64: {  	_ =	shalt  }
0x65: {  	_ =	shalt  }
0x66: {  	_ =	shalt  }
0x67: {  	_ =	shalt  }
0x68: {  	_ =	shalt  }
0x69: {  	_ =	shalt  }
0x6a: {  	_ =	shalt  }
0x6b: {  	_ =	shalt  }
0x6c: {  	_ =	shalt  }
0x6d: {  	_ =	shalt  }
0x6e: {  	_ =	shalt  }
0x6f: {  	_ =	shalt  }
0x70: {  	_ =	shalt  }
0x71: {  	_ =	shalt  }
0x72: {  	_ =	shalt  }
0x73: {  	_ =	shalt  }
0x74: {  	_ =	shalt  }
0x75: {  	_ =	shalt  }
0x76: {  	_ =	shalt  }
0x77: {  	_ =	shalt  }
0x78: {  	_ =	shalt  }
0x79: {  	_ =	shalt  }
0x7a: {  	_ =	shalt  }
0x7b: {  	_ =	shalt  }
0x7c: {  	_ =	shalt  }
0x7d: {  	_ =	shalt  }
0x7e: {  	_ =	shalt  }
0x7f: {  	_ =	shalt  }
0x80: {  	_ =	shalt  }
0x81: {  	_ =	shalt  }
0x82: {  	_ =	shalt  }
0x83: {  	_ =	shalt  }
0x84: {  	_ =	shalt  }
0x85: {  	_ =	shalt  }
0x86: {  	_ =	shalt  }
0x87: {  	_ =	shalt  }
.Lfunc_end0:
.L_simem_size_0:
called_computation.1_lowered:
.L_overlay_start_0:
0x88: {  	s2 =	sld [smem:$0x3FD9]  }
0x89: {  	s3 =	sld [smem:$0x3FFE];
	_ =	sdelay $0x1  }
0x8a: {  	s1 =	srdreg.scid  }
0x8b: {  	s0 =	sand.u32 $0x1, s1  }
0x8c: {  	s17 =	sshll.u32 s0, $0xA;
	s2 =	sadd.s32 s3, s2  }
0x8d: {  	s2 =	sadd.s32 s2, s17  }
0x8e: {  	[smem:$0x3FC2] =	sst s2  }
0x8f: {  	_ = 	snop  }
0x90: {  	s2 =	sld [smem:$0x3FD0];
	(tm) =	ssettm $0x1  }
0x91: {  	s18 =	sld [smem:$0x3FFB];
	_ =	sdelay $0x3  }
0x92: {  	_ =	strace s18  }
0x93: {  	s3 =	sld [smem:$0x3FFC];
	_ =	sdelay $0x3  }
0x94: {  	_ =	strace s3  }
0x95: {  	s3 =	sld [smem:$0x3FFD];
	_ =	sdelay $0x3  }
0x96: {  	_ =	strace s3  }
0x97: {  	_ =	strace $0x8FFFFFFF  }
0x98: {  	s19 =	sld [smem:$0x3FDB];
	_ =	sdelay $0x1  }
0x99: {  	s4 =	simm.s32 $_scs_section_size  }
0x9a: {  	s5 =	simm.s32 $_size__tile_overlayer_lowered;
	s6 =	simm.s32 $_tile_overlayer_lowered  }
0x9b: {  	s22 =	simm.s32 $0x1BFF;
	s21 =	sshll.u32 s6, $0x1;
	s3 =	sadd.s32 s4, s19  }
0x9c: {  	s7 =	simm.s32 $0x0;
	s20 =	sshll.u32 s5, $0x1;
	s5 =	sadd.s32 s21, s3  }
0x9d: {  	[timem:s7], [sflag:s22] =	dma.local [hbm:s5], s20  }
0x9e: {  	_ =	swait.ge [sflag:s22], s20  }
0x9f: {  	s4 =	ssub.s32 $0x0, s20;
	[sflag:s22] =	ssyncset.done $0x0  }
0xa0: {  	[sflag:s22] =	ssyncadd.s32 s4;
	_ =	sdelay $0x1  }
0xa1: {  	s23 =	simm.s32 $0x1B8B  }
0xa2: {  	_ =	swait.ge [sflag:s23], $0x1  }
0xa3: {  	[sflag:s23] =	ssyncset.done $0x0  }
0xa4: {  	s25 =	simm.s32 $0x1B8E;
	s24 =	sld [smem:$0x3FFE];
	[sflag:s23] =	ssyncadd.s32 $0xFFFFFFFF  }
0xa5: {  	s26 =	simm.s32 $execute0_lowered;
	[smem:$0x3FD2] =	sst s25  }
0xa6: {  	s5 =	sshll.u32 s26, $0x1;
	_ =	strace $0x80000049;
	[dreg:$0x1] =	wrdreg $0xFFFFFFFF  }
0xa7: {  	s28 =	simm.s32 $_size_execute0_lowered;
	s3 =	sadd.s32 s3, s5;
	[dreg:$0x0] =	wrdreg $0x0  }
0xa8: {  	s5 =	sshll.u32 s28, $0x1;
	[dreg:$0x2] =	wrdreg s3  }
0xa9: {  	[dreg:$0x3] =	wrdreg s5  }
0xaa: {  	[dreg:$0x4] =	wrdreg $0xC0  }
0xab: {  	_ =	task [dreg:s7], $0x5FFFF  }
0xac: {  	[dreg:$0x1] =	wrdreg $0xFFFFFFFF  }
0xad: {  	[dreg:$0x0] =	wrdreg $0x60  }
0xae: {  	[dreg:$0x2] =	wrdreg s24  }
0xaf: {  	[dreg:$0x3] =	wrdreg s2  }
0xb0: {  	[dreg:$0x4] =	wrdreg $0xA1000  }
0xb1: {  	[dreg:$0x5] =	wrdreg $0x149000  }
0xb2: {  	[dreg:$0x6] =	wrdreg $0x9  }
0xb3: {  	_ =	task.clear_ibuf [dreg:s7], $0x7FFFF;
	_ =	strace $0x90000049  }
0xb4: {  	s29 =	simm.s32 $0x9;
	_ =	strace $0x8000004B  }
0xb5: {  	_ =	swait.ge [sflag:s29], $0x1  }
0xb6: {  	[sflag:s29] =	ssyncadd.s32 $0xFFFFFFFF  }
0xb7: {  	_ =	strace $0x9000004B  }
0xb8: {  	_ =	sfence  }
0xb9: {  	s30 =	sld [smem:$0x0];
	_ =	sdelay $0x2  }
0xba: {  	s31 =	sshll.u32 s1, $0xD;
	s1 =	sshrl.u32 s1, $0x2  }
0xbb: {  	s3 =	sand.u32 $0x4000, s31;
	s1 =	sadd.s32 s1, s30  }
0xbc: {  	s0 =	sor.u32 s3, s0;
	s1 =	sshll.u32 s1, $0x11  }
0xbd: {  	s0 =	sor.u32 s1, s0  }
0xbe: {  	s0 =	sadd.s32 $0x8F2B, s0  }
0xbf: {  	[sflag:s0] =	ssyncadd.remote.s32 $0x1  }
0xc0: {  	_ =	sfence.sel $0xFFFF  }
0xc1: {  	[dreg:$0x0] =	wrdreg $0xFFFFFFFF;
	(pc) =	sbr.abs _section_cstart, $3  }
0xc2: {  	[dreg:$0x1] =	wrdreg $0xFFFFFFFF  }
0xc3: {  	_ =	task.clear_ibuf [dreg:s7], $0x2FFFF;
	_ =	strace $0x9FFFFFFF  }
0xc4: {  	(tm) =	ssettm $0x7FFFFFFF  }
0xc5: {  	_ =	shalt  }
tec
execute0_lowered:
.L_overlay_start_1:
0x0: {  	(tag) =	ssettag $0x1  }
0x1: {  	s0 =	rddreg [dreg:$0x0]  }
0x2: {  	s1 =	rddreg [dreg:$0x1]  }
0x3: {  	s2 =	rddreg [dreg:$0x2]  }
0x4: {  	s3 =	rddreg [dreg:$0x3];
	s4 =	srdreg.scid;
	s6 =	simm.s32 $0x0  }
0x5: {  	s9 =	stileid.u32;
	s28 =	simm.s32 $0x7900;
	s29 =	simm.s32 $0x1  }
0x6: {  	s30 =	simm.s32 $0x4F00;
	s31 =	simm.s32 $0x4F80;
	s7 =	smul.u32 $0xA000, s9  }
0x7: {  	s4 =	sand.u32 $0x1, s4;
	s16 =	sshll.u32 s9, $0x1;
	s9 =	smul.u32 $0xA800, s9  }
0x8: {  	[smem:$0x7FF] =	sst s6;
	s5 =	smul.u32 $0x140000, s4;
	s6 =	sor.u32 s4, s16  }
0x9: {  	_ =	strace $0x8000004A;
	s4 =	ssub.s32 $0x2, s4;
	s6 =	smul.u32 $0x4E2, s6  }
0xa: {  	s8 =	sshrl.u32 s4, $0x1;
	s17 =	sadd.s32 s9, s2;
	s18 =	sadd.s32 s9, s3  }
0xb: {  	s19 =	sadd.s32 $0x2800, s9;
	s21 =	sadd.s32 $0x5000, s9;
	s23 =	sadd.s32 $0x7800, s9  }
0xc: {  	s24 =	sadd.s32 $0xA000, s9;
	s25 =	sadd.s32 s7, s2;
	s26 =	sadd.s32 s7, s3  }
0xd: {  	s5 =	sadd.s32 s7, s5;
	s4 =	ssub.s32 s4, s8;
	[dreg:$0x5] =	wrdreg s17  }
0xe: {  	[dreg:$0x6] =	wrdreg s18;
	s20 =	sadd.s32 s19, s2;
	s22 =	sadd.s32 s21, s2  }
0xf: {  	s11 =	sadd.s32 s21, s3;
	s12 =	sadd.s32 s23, s2;
	s13 =	sadd.s32 s23, s3  }
0x10: {  	s14 =	sadd.s32 s24, s2;
	s15 =	sadd.s32 s24, s3;
	s21 =	simm.s32 $0x5100  }
0x11: {  	s24 =	sshrl.u32 s25, $0x3;
	s25 =	sshrl.u32 s26, $0x3;
	s26 =	simm.s32 $0x50  }
0x12: {  	s23 =	simm.s32 $0x2;
	s5 =	sshrl.u32 s5, $0x3;
	[dreg:$0x7] =	wrdreg s20  }
0x13: {  	s6 =	sadd.s32 s6, s0;
	[dreg:$0x9] =	wrdreg s22;
	s20 =	smax.u32 s4, $0x1  }
0x14: {  	s22 =	simm.s32 $0x4;
	s4 =	simm.s32 $0x5000;
	s0 =	sadd.s32 s5, s0  }
0x15: {  	s5 =	sadd.s32 s19, s3;
	s16 =	sadd.s32 $0xBA00, s6;
	s17 =	sadd.s32 $0x1C00, s6  }
0x16: {  	s6 =	simm.s32 $0x0;
	[dreg:$0x8] =	wrdreg s5;
	s18 =	sadd.s32 $0x15800, s0  }
0x17: {  	v0 =	vimm.f32 $0.0e+00;
	s19 =	sadd.s32 $0x29800, s0;
	s0 =	simm.s32 $0x3;
	s5 =	simm.s32 $0x5080  }
.LBB2_1:
0x18: {  	s8 =	simm.s32 $0x0  }
0x19: {  	s7 =	sand.u32 $0xFE00, s8  }
0x1a: {  	s8 =	sand.u32 $0x70, s8;
	s9 =	sshrl.u32 s7, $0x2  }
0x1b: {  	s7 =	simm.s32 $0x40;
	s9 =	sor.u32 s8, s9;
	s8 =	simm.s32 $0x0  }
.LBB2_2:
0x1c: {  	p0 =	sne.s32 s7, $0x9FC0  }
0x1d: {  	[tilespmem:s9+$0x5100] =	vst v0;
	s8 =	sadd.s32 $0x10, s8;
	s9 =	smov.u32 s7;
	s7 =	sadd.s32 $0x40, s7  }
.Ltmp0:
0x1e: {  	(pc) =	sbr.rel @p0 .LBB2_2-.Ltmp0, $4  }
0x1f: {  	_ = 	snop  }
0x20: {  	s9 =	sand.u32 $0xFE00, s9  }
0x21: {  	s10 =	sand.u32 $0x70, s8;
	s9 =	sshrl.u32 s9, $0x2  }
0x22: {  	s9 =	sor.u32 s10, s9  }
0x23: {  	[tilespmem:s9+$0x5100] =	vst v0;
	s7 =	rddreg [dreg:$0x5]  }
0x24: {  	[spmem:s7] =	stream.linear.scatter [tilespmem:s21], [sflag:$0x4], $0x2800, $0x38;
	[tilespmem:$0x1F100] =	vst v63  }
0x25: {  	_ =	swait.ge [sflag:s22], $0x2800  }
0x26: {  	[sflag:s22] =	ssyncset.done $0x0  }
0x27: {  	s9 =	rddreg [dreg:$0x6];
	[sflag:s22] =	ssyncadd.s32 $0xFFFFD800  }
0x28: {  	[spmem:s9] =	stream.linear.scatter [tilespmem:s21], [sflag:$0x4], $0x2800, $0x38;
	[tilespmem:$0x1F100] =	vst v63  }
0x29: {  	_ =	swait.ge [sflag:s22], $0x2800  }
0x2a: {  	[sflag:s22] =	ssyncset.done $0x0  }
0x2b: {  	s10 =	rddreg [dreg:$0x7];
	[sflag:s22] =	ssyncadd.s32 $0xFFFFD800  }
0x2c: {  	[spmem:s10] =	stream.linear.scatter [tilespmem:s21], [sflag:$0x4], $0x2800, $0x38;
	[tilespmem:$0x1F100] =	vst v63  }
0x2d: {  	_ =	swait.ge [sflag:s22], $0x2800  }
0x2e: {  	[sflag:s22] =	ssyncset.done $0x0  }
0x2f: {  	s8 =	rddreg [dreg:$0x8];
	[sflag:s22] =	ssyncadd.s32 $0xFFFFD800  }
0x30: {  	[spmem:s8] =	stream.linear.scatter [tilespmem:s21], [sflag:$0x4], $0x2800, $0x38;
	[tilespmem:$0x1F100] =	vst v63  }
0x31: {  	_ =	swait.ge [sflag:s22], $0x2800  }
0x32: {  	[sflag:s22] =	ssyncset.done $0x0  }
0x33: {  	s9 =	rddreg [dreg:$0x9];
	[sflag:s22] =	ssyncadd.s32 $0xFFFFD800  }
0x34: {  	[spmem:s9] =	stream.linear.scatter [tilespmem:s21], [sflag:$0x4], $0x2800, $0x38;
	[tilespmem:$0x1F100] =	vst v63  }
0x35: {  	_ =	swait.ge [sflag:s22], $0x2800  }
0x36: {  	[sflag:s22] =	ssyncset.done $0x0  }
0x37: {  	[sflag:s22] =	ssyncadd.s32 $0xFFFFD800  }
0x38: {  	[spmem:s11] =	stream.linear.scatter [tilespmem:s21], [sflag:$0x4], $0x2800, $0x38;
	[tilespmem:$0x1F100] =	vst v63  }
0x39: {  	_ =	swait.ge [sflag:s22], $0x2800  }
0x3a: {  	[sflag:s22] =	ssyncset.done $0x0  }
0x3b: {  	[sflag:s22] =	ssyncadd.s32 $0xFFFFD800  }
0x3c: {  	[spmem:s12] =	stream.linear.scatter [tilespmem:s21], [sflag:$0x4], $0x2800, $0x38;
	[tilespmem:$0x1F100] =	vst v63  }
0x3d: {  	_ =	swait.ge [sflag:s22], $0x2800  }
0x3e: {  	[sflag:s22] =	ssyncset.done $0x0  }
0x3f: {  	[sflag:s22] =	ssyncadd.s32 $0xFFFFD800  }
0x40: {  	[spmem:s13] =	stream.linear.scatter [tilespmem:s21], [sflag:$0x4], $0x2800, $0x38;
	[tilespmem:$0x1F100] =	vst v63  }
0x41: {  	_ =	swait.ge [sflag:s22], $0x2800  }
0x42: {  	[sflag:s22] =	ssyncset.done $0x0  }
0x43: {  	[sflag:s22] =	ssyncadd.s32 $0xFFFFD800  }
0x44: {  	[spmem:s14] =	stream.linear.scatter [tilespmem:s21], [sflag:$0x4], $0x800, $0x38;
	[tilespmem:$0x1F100] =	vst v63  }
0x45: {  	_ =	swait.ge [sflag:s22], $0x800  }
0x46: {  	[sflag:s22] =	ssyncset.done $0x0  }
0x47: {  	[sflag:s22] =	ssyncadd.s32 $0xFFFFF800  }
0x48: {  	[spmem:s15] =	stream.linear.scatter [tilespmem:s21], [sflag:$0x4], $0x800, $0x38;
	[tilespmem:$0x1F100] =	vst v63  }
0x49: {  	_ =	swait.ge [sflag:s22], $0x800  }
0x4a: {  	[sflag:s22] =	ssyncset.done $0x0  }
0x4b: {  	s10 =	simm.s32 $0x0;
	[sflag:s22] =	ssyncadd.s32 $0xFFFFF800  }
0x4c: {  	[tilespmem:s10], [sflag:$0x4] =	stream.linear.gather [hbm4b:s16+s10], $0x2710, $0x38;
	[tilespmem:$0x1F100] =	vst v63  }
0x4d: {  	_ =	swait.ge [sflag:s22], $0x2710  }
0x4e: {  	[sflag:s22] =	ssyncset.done $0x0  }
0x4f: {  	s8 =	simm.s32 $0x2780;
	[sflag:s22] =	ssyncadd.s32 $0xFFFFD8F0  }
0x50: {  	[tilespmem:s8], [sflag:$0x4] =	stream.linear.gather [hbm4b:s17+s10], $0x2710, $0x38;
	[tilespmem:$0x1F100] =	vst v63  }
0x51: {  	_ =	swait.ge [sflag:s22], $0x2710  }
0x52: {  	[sflag:s22] =	ssyncset.done $0x0  }
0x53: {  	[sflag:s22] =	ssyncadd.s32 $0xFFFFD8F0  }
0x54: {  	[bflag:$0x0] =	sbarrier.arrive $0xFFFF  }
0x55: {  	[tilespmem:s21], [sflag:$0x1] =	stream.indirect.gather [hbm4b:s1+s26], $0x80, s10, s26, $0xb8;
	[tilespmem:$0x1F100] =	vst v63  }
0x56: {  	s8 =	simm.s32 $0x50  }
0x57: {  	[tilespmem:s28], [sflag:$0x2] =	stream.indirect.gather [hbm4b:s1+s26], $0x80, s8, s26, $0xb8;
	[tilespmem:$0x1F100] =	vst v63  }
0x58: {  	_ =	swait.ge [sflag:s29], $0x2800  }
0x59: {  	[sflag:s29] =	ssyncset.done $0x0  }
0x5a: {  	s9 =	simm.s32 $0x0;
	[sflag:s29] =	ssyncadd.s32 $0xFFFFD800  }
0x5b: {  	v1 =	vld [tilespmem:s9+$0x2780];
	_ =	sdelay $0x4  }
0x5c: {  	v2 =	vand.u32 $0xFF, v1  }
0x5d: {  	vm0 =	vlt.s32 v1, $0x1400;
	v2 =	vor.u32 $0x1400, v2  }
0x5e: {  	v3 =	vadd.s32 $0xFFFFEC00, v1;
	v1 =	vsel vm0, v1, v2  }
0x5f: {  	v2 =	vsel vm0, v2, v3;
	[tilespmem:$0x4F00] =	vst v1  }
0x60: {  	[tilespmem:$0x4F80] =	vst v2  }
0x61: {  	v1 =	vld [tilespmem:s9+$0x2790];
	_ =	sdelay $0x4  }
0x62: {  	v2 =	vand.u32 $0xFF, v1  }
0x63: {  	vm7 =	vlt.s32 v1, $0x1400;
	v2 =	vor.u32 $0x1400, v2  }
0x64: {  	v3 =	vadd.s32 $0xFFFFEC00, v1;
	v1 =	vsel vm7, v1, v2  }
0x65: {  	v2 =	vsel vm7, v2, v3;
	[tilespmem:$0x4F10] =	vst v1  }
0x66: {  	[tilespmem:$0x4F90] =	vst v2  }
0x67: {  	v1 =	vld [tilespmem:s9+$0x27A0];
	_ =	sdelay $0x4  }
0x68: {  	v2 =	vand.u32 $0xFF, v1  }
0x69: {  	vm8 =	vlt.s32 v1, $0x1400;
	v2 =	vor.u32 $0x1400, v2  }
0x6a: {  	v3 =	vadd.s32 $0xFFFFEC00, v1;
	v1 =	vsel vm8, v1, v2  }
0x6b: {  	v2 =	vsel vm8, v2, v3;
	[tilespmem:$0x4F20] =	vst v1  }
0x6c: {  	[tilespmem:$0x4FA0] =	vst v2  }
0x6d: {  	v1 =	vld [tilespmem:s9+$0x27B0];
	_ =	sdelay $0x4  }
0x6e: {  	v2 =	vand.u32 $0xFF, v1  }
0x6f: {  	vm9 =	vlt.s32 v1, $0x1400;
	v2 =	vor.u32 $0x1400, v2  }
0x70: {  	v3 =	vadd.s32 $0xFFFFEC00, v1;
	v1 =	vsel vm9, v1, v2  }
0x71: {  	v2 =	vsel vm9, v2, v3;
	[tilespmem:$0x4F30] =	vst v1  }
0x72: {  	[tilespmem:$0x4FB0] =	vst v2  }
0x73: {  	v1 =	vld [tilespmem:s9+$0x27C0];
	_ =	sdelay $0x4  }
0x74: {  	v2 =	vand.u32 $0xFF, v1  }
0x75: {  	vm10 =	vlt.s32 v1, $0x1400;
	v2 =	vor.u32 $0x1400, v2  }
0x76: {  	v3 =	vadd.s32 $0xFFFFEC00, v1;
	v1 =	vsel vm10, v1, v2  }
0x77: {  	v2 =	vsel vm10, v2, v3;
	[tilespmem:$0x4F40] =	vst v1  }
0x78: {  	[tilespmem:$0x4FC0] =	vst v2  }
0x79: {  	[spmem:s2] =	stream.indirect.scatter.add.f32 [tilespmem:s21], [sflag:$0x3], $0x80, s30, s26, $0xb8;
	[tilespmem:$0x1F100] =	vst v63  }
0x7a: {  	_ = 	snop  }
0x7b: {  	[spmem:s3] =	stream.indirect.scatter.add.f32 [tilespmem:s21], [sflag:$0x3], $0x80, s31, s26, $0xb8;
	[tilespmem:$0x1F100] =	vst v63  }
0x7c: {  	_ =	swait.ge [sflag:s0], $0x2800  }
0x7d: {  	[sflag:s0] =	ssyncset.done $0x0  }
0x7e: {  	[sflag:s0] =	ssyncadd.s32 $0xFFFFD800  }
0x7f: {  	_ =	swait.ge [sflag:s0], $0x2800  }
0x80: {  	[sflag:s0] =	ssyncset.done $0x0  }
0x81: {  	s10 =	simm.s32 $0xA0;
	[sflag:s0] =	ssyncadd.s32 $0xFFFFD800  }
0x82: {  	[tilespmem:s21], [sflag:$0x1] =	stream.indirect.gather [hbm4b:s1+s26], $0x80, s10, s26, $0xb8;
	[tilespmem:$0x1F100] =	vst v63  }
0x83: {  	_ =	swait.ge [sflag:s23], $0x2800  }
0x84: {  	[sflag:s23] =	ssyncset.done $0x0  }
0x85: {  	[sflag:s23] =	ssyncadd.s32 $0xFFFFD800  }
0x86: {  	v1 =	vld [tilespmem:s9+$0x27D0];
	_ =	sdelay $0x4  }
0x87: {  	v2 =	vand.u32 $0xFF, v1  }
0x88: {  	vm11 =	vlt.s32 v1, $0x1400;
	v2 =	vor.u32 $0x1400, v2  }
0x89: {  	v3 =	vadd.s32 $0xFFFFEC00, v1;
	v1 =	vsel vm11, v1, v2  }
0x8a: {  	v2 =	vsel vm11, v2, v3;
	[tilespmem:$0x5000] =	vst v1  }
0x8b: {  	[tilespmem:$0x5080] =	vst v2  }
0x8c: {  	v1 =	vld [tilespmem:s9+$0x27E0];
	_ =	sdelay $0x4  }
0x8d: {  	v2 =	vand.u32 $0xFF, v1  }
0x8e: {  	vm12 =	vlt.s32 v1, $0x1400;
	v2 =	vor.u32 $0x1400, v2  }
0x8f: {  	v3 =	vadd.s32 $0xFFFFEC00, v1;
	v1 =	vsel vm12, v1, v2  }
0x90: {  	v2 =	vsel vm12, v2, v3;
	[tilespmem:$0x5010] =	vst v1  }
0x91: {  	[tilespmem:$0x5090] =	vst v2  }
0x92: {  	v1 =	vld [tilespmem:s9+$0x27F0];
	_ =	sdelay $0x4  }
0x93: {  	v2 =	vand.u32 $0xFF, v1  }
0x94: {  	vm13 =	vlt.s32 v1, $0x1400;
	v2 =	vor.u32 $0x1400, v2  }
0x95: {  	v3 =	vadd.s32 $0xFFFFEC00, v1;
	v1 =	vsel vm13, v1, v2  }
0x96: {  	v2 =	vsel vm13, v2, v3;
	[tilespmem:$0x5020] =	vst v1  }
0x97: {  	[tilespmem:$0x50A0] =	vst v2  }
0x98: {  	v1 =	vld [tilespmem:s9+$0x2800];
	_ =	sdelay $0x4  }
0x99: {  	v2 =	vand.u32 $0xFF, v1  }
0x9a: {  	vm14 =	vlt.s32 v1, $0x1400;
	v2 =	vor.u32 $0x1400, v2  }
0x9b: {  	v3 =	vadd.s32 $0xFFFFEC00, v1;
	v1 =	vsel vm14, v1, v2  }
0x9c: {  	v2 =	vsel vm14, v2, v3;
	[tilespmem:$0x5030] =	vst v1  }
0x9d: {  	[tilespmem:$0x50B0] =	vst v2  }
0x9e: {  	v1 =	vld [tilespmem:s9+$0x2810];
	_ =	sdelay $0x4  }
0x9f: {  	v2 =	vand.u32 $0xFF, v1  }
0xa0: {  	vm15 =	vlt.s32 v1, $0x1400;
	v3 =	vadd.s32 $0xFFFFEC00, v1;
	v4 =	vor.u32 $0x1400, v2  }
0xa1: {  	s7 =	simm.s32 $0x280;
	v2 =	vsel vm15, v1, v4;
	v1 =	vsel vm15, v4, v3  }
.LBB2_4:
0xa2: {  	p0 =	sne.s32 s7, $0x9880;
	[tilespmem:$0x5040] =	vst v2;
	s8 =	smov.u32 s7;
	s7 =	sadd.s32 $0x280, s7  }
0xa3: {  	[tilespmem:$0x50C0] =	vst v1  }
0xa4: {  	[spmem:s2] =	stream.indirect.scatter.add.f32 [tilespmem:s28], [sflag:$0x3], $0x80, s4, s26, $0xb8;
	[tilespmem:$0x1F100] =	vst v63  }
0xa5: {  	_ = 	snop  }
0xa6: {  	[spmem:s3] =	stream.indirect.scatter.add.f32 [tilespmem:s28], [sflag:$0x3], $0x80, s5, s26, $0xb8;
	[tilespmem:$0x1F100] =	vst v63  }
0xa7: {  	_ =	swait.ge [sflag:s0], $0x2800  }
0xa8: {  	[sflag:s0] =	ssyncset.done $0x0  }
0xa9: {  	[sflag:s0] =	ssyncadd.s32 $0xFFFFD800  }
0xaa: {  	_ =	swait.ge [sflag:s0], $0x2800  }
0xab: {  	s8 =	sshra.s32 s8, $0x2;
	[sflag:s0] =	ssyncset.done $0x0  }
0xac: {  	s9 =	sadd.s32 $0x50, s8;
	[sflag:s0] =	ssyncadd.s32 $0xFFFFD800  }
0xad: {  	[tilespmem:s28], [sflag:$0x2] =	stream.indirect.gather [hbm4b:s1+s26], $0x80, s9, s26, $0xb8;
	[tilespmem:$0x1F100] =	vst v63  }
0xae: {  	_ =	swait.ge [sflag:s29], $0x2800  }
0xaf: {  	[sflag:s29] =	ssyncset.done $0x0  }
0xb0: {  	[sflag:s29] =	ssyncadd.s32 $0xFFFFD800  }
0xb1: {  	v1 =	vld [tilespmem:s8+$0x2780];
	_ =	sdelay $0x4  }
0xb2: {  	v2 =	vand.u32 $0xFF, v1  }
0xb3: {  	vm0 =	vlt.s32 v1, $0x1400;
	v3 =	vadd.s32 $0xFFFFEC00, v1;
	v2 =	vor.u32 $0x1400, v2  }
0xb4: {  	v1 =	vsel vm0, v1, v2;
	v2 =	vsel vm0, v2, v3  }
0xb5: {  	[tilespmem:$0x4F00] =	vst v1  }
0xb6: {  	[tilespmem:$0x4F80] =	vst v2  }
0xb7: {  	v1 =	vld [tilespmem:s8+$0x2790];
	_ =	sdelay $0x4  }
0xb8: {  	v2 =	vand.u32 $0xFF, v1;
	vm0 =	vlt.s32 v1, $0x1400;
	v3 =	vadd.s32 $0xFFFFEC00, v1  }
0xb9: {  	v2 =	vor.u32 $0x1400, v2  }
0xba: {  	v1 =	vsel vm0, v1, v2;
	v2 =	vsel vm0, v2, v3  }
0xbb: {  	[tilespmem:$0x4F10] =	vst v1  }
0xbc: {  	[tilespmem:$0x4F90] =	vst v2  }
0xbd: {  	v1 =	vld [tilespmem:s8+$0x27A0];
	_ =	sdelay $0x4  }
0xbe: {  	v2 =	vand.u32 $0xFF, v1;
	vm0 =	vlt.s32 v1, $0x1400;
	v3 =	vadd.s32 $0xFFFFEC00, v1  }
0xbf: {  	v2 =	vor.u32 $0x1400, v2  }
0xc0: {  	v1 =	vsel vm0, v1, v2;
	v2 =	vsel vm0, v2, v3  }
0xc1: {  	[tilespmem:$0x4F20] =	vst v1  }
0xc2: {  	[tilespmem:$0x4FA0] =	vst v2  }
0xc3: {  	v1 =	vld [tilespmem:s8+$0x27B0];
	_ =	sdelay $0x4  }
0xc4: {  	v2 =	vand.u32 $0xFF, v1;
	vm0 =	vlt.s32 v1, $0x1400;
	v3 =	vadd.s32 $0xFFFFEC00, v1  }
0xc5: {  	v2 =	vor.u32 $0x1400, v2  }
0xc6: {  	v1 =	vsel vm0, v1, v2;
	v2 =	vsel vm0, v2, v3  }
0xc7: {  	[tilespmem:$0x4F30] =	vst v1  }
0xc8: {  	[tilespmem:$0x4FB0] =	vst v2  }
0xc9: {  	v1 =	vld [tilespmem:s8+$0x27C0];
	_ =	sdelay $0x4  }
0xca: {  	v2 =	vand.u32 $0xFF, v1;
	vm0 =	vlt.s32 v1, $0x1400;
	v3 =	vadd.s32 $0xFFFFEC00, v1  }
0xcb: {  	v2 =	vor.u32 $0x1400, v2  }
0xcc: {  	v1 =	vsel vm0, v1, v2;
	v2 =	vsel vm0, v2, v3  }
0xcd: {  	[tilespmem:$0x4F40] =	vst v1  }
0xce: {  	[tilespmem:$0x4FC0] =	vst v2  }
0xcf: {  	[spmem:s2] =	stream.indirect.scatter.add.f32 [tilespmem:s21], [sflag:$0x3], $0x80, s30, s26, $0xb8;
	[tilespmem:$0x1F100] =	vst v63  }
0xd0: {  	_ = 	snop  }
0xd1: {  	[spmem:s3] =	stream.indirect.scatter.add.f32 [tilespmem:s21], [sflag:$0x3], $0x80, s31, s26, $0xb8;
	[tilespmem:$0x1F100] =	vst v63  }
0xd2: {  	s9 =	sadd.s32 $0xA0, s8;
	_ =	swait.ge [sflag:s0], $0x2800  }
0xd3: {  	[sflag:s0] =	ssyncset.done $0x0  }
0xd4: {  	[sflag:s0] =	ssyncadd.s32 $0xFFFFD800  }
0xd5: {  	_ =	swait.ge [sflag:s0], $0x2800  }
0xd6: {  	[sflag:s0] =	ssyncset.done $0x0  }
0xd7: {  	[sflag:s0] =	ssyncadd.s32 $0xFFFFD800  }
0xd8: {  	[tilespmem:s21], [sflag:$0x1] =	stream.indirect.gather [hbm4b:s1+s26], $0x80, s9, s26, $0xb8;
	[tilespmem:$0x1F100] =	vst v63  }
0xd9: {  	_ =	swait.ge [sflag:s23], $0x2800  }
0xda: {  	[sflag:s23] =	ssyncset.done $0x0  }
0xdb: {  	[sflag:s23] =	ssyncadd.s32 $0xFFFFD800  }
0xdc: {  	v1 =	vld [tilespmem:s8+$0x27D0];
	_ =	sdelay $0x4  }
0xdd: {  	v2 =	vand.u32 $0xFF, v1;
	vm0 =	vlt.s32 v1, $0x1400;
	v3 =	vadd.s32 $0xFFFFEC00, v1  }
0xde: {  	v2 =	vor.u32 $0x1400, v2  }
0xdf: {  	v1 =	vsel vm0, v1, v2;
	v2 =	vsel vm0, v2, v3  }
0xe0: {  	[tilespmem:$0x5000] =	vst v1  }
0xe1: {  	[tilespmem:$0x5080] =	vst v2  }
0xe2: {  	v1 =	vld [tilespmem:s8+$0x27E0];
	_ =	sdelay $0x4  }
0xe3: {  	v2 =	vand.u32 $0xFF, v1;
	vm0 =	vlt.s32 v1, $0x1400;
	v3 =	vadd.s32 $0xFFFFEC00, v1  }
0xe4: {  	v2 =	vor.u32 $0x1400, v2  }
0xe5: {  	v1 =	vsel vm0, v1, v2;
	v2 =	vsel vm0, v2, v3  }
0xe6: {  	[tilespmem:$0x5010] =	vst v1  }
0xe7: {  	[tilespmem:$0x5090] =	vst v2  }
0xe8: {  	v1 =	vld [tilespmem:s8+$0x27F0];
	_ =	sdelay $0x4  }
0xe9: {  	v2 =	vand.u32 $0xFF, v1;
	vm0 =	vlt.s32 v1, $0x1400;
	v3 =	vadd.s32 $0xFFFFEC00, v1  }
0xea: {  	v2 =	vor.u32 $0x1400, v2  }
0xeb: {  	v1 =	vsel vm0, v1, v2;
	v2 =	vsel vm0, v2, v3  }
0xec: {  	[tilespmem:$0x5020] =	vst v1  }
0xed: {  	[tilespmem:$0x50A0] =	vst v2  }
0xee: {  	v1 =	vld [tilespmem:s8+$0x2800];
	_ =	sdelay $0x4  }
0xef: {  	v2 =	vand.u32 $0xFF, v1;
	vm0 =	vlt.s32 v1, $0x1400;
	v3 =	vadd.s32 $0xFFFFEC00, v1  }
0xf0: {  	v2 =	vor.u32 $0x1400, v2  }
0xf1: {  	v1 =	vsel vm0, v1, v2;
	v2 =	vsel vm0, v2, v3  }
0xf2: {  	[tilespmem:$0x5030] =	vst v1  }
0xf3: {  	[tilespmem:$0x50B0] =	vst v2  }
0xf4: {  	v1 =	vld [tilespmem:s8+$0x2810];
	_ =	sdelay $0x2  }
.Ltmp1:
0xf5: {  	(pc) =	sbr.rel @p0 .LBB2_4-.Ltmp1, $4  }
0xf6: {  	_ = 	snop  }
0xf7: {  	v2 =	vand.u32 $0xFF, v1;
	vm0 =	vlt.s32 v1, $0x1400;
	v3 =	vadd.s32 $0xFFFFEC00, v1  }
0xf8: {  	v4 =	vor.u32 $0x1400, v2  }
0xf9: {  	v2 =	vsel vm0, v1, v4;
	v1 =	vsel vm0, v4, v3  }
0xfa: {  	[tilespmem:$0x5040] =	vst v2  }
0xfb: {  	[tilespmem:$0x50C0] =	vst v1  }
0xfc: {  	[spmem:s2] =	stream.indirect.scatter.add.f32 [tilespmem:s28], [sflag:$0x3], $0x80, s4, s26, $0xb8;
	[tilespmem:$0x1F100] =	vst v63  }
0xfd: {  	_ = 	snop  }
0xfe: {  	[spmem:s3] =	stream.indirect.scatter.add.f32 [tilespmem:s28], [sflag:$0x3], $0x80, s5, s26, $0xb8;
	[tilespmem:$0x1F100] =	vst v63  }
0xff: {  	_ =	swait.ge [sflag:s0], $0x2800  }
0x100: {  	[sflag:s0] =	ssyncset.done $0x0  }
0x101: {  	[sflag:s0] =	ssyncadd.s32 $0xFFFFD800  }
0x102: {  	_ =	swait.ge [sflag:s0], $0x2800  }
0x103: {  	[sflag:s0] =	ssyncset.done $0x0  }
0x104: {  	[sflag:s0] =	ssyncadd.s32 $0xFFFFD800  }
0x105: {  	_ =	swait.ge [sflag:s29], $0x2800  }
0x106: {  	[sflag:s29] =	ssyncset.done $0x0  }
0x107: {  	[sflag:s29] =	ssyncadd.s32 $0xFFFFD800  }
0x108: {  	v1 =	vld [tilespmem:$0x4E40];
	_ =	sdelay $0x1  }
0x109: {  	v2 =	vld [tilespmem:$0x4E50];
	_ =	sdelay $0x1  }
0x10a: {  	v3 =	vld [tilespmem:$0x4E60]  }
0x10b: {  	v4 =	vand.u32 $0xFF, v1  }
0x10c: {  	v5 =	vld [tilespmem:$0x4E70];
	vm0 =	vlt.s32 v1, $0x1400;
	v4 =	vor.u32 $0x1400, v4  }
0x10d: {  	v7 =	vand.u32 $0xFF, v2;
	v6 =	vsel vm0, v1, v4;
	v1 =	vadd.s32 $0xFFFFEC00, v1  }
0x10e: {  	v60 =	vld [tilespmem:$0x4E80];
	vm12 =	vlt.s32 v2, $0x1400;
	v59 =	vor.u32 $0x1400, v7;
	[tilespmem:$0x4F00] =	vst v6;
	v1 =	vsel vm0, v4, v1  }
0x10f: {  	v61 =	vand.u32 $0xFF, v3;
	[tilespmem:$0x4F80] =	vst v1;
	v1 =	vsel vm12, v2, v59;
	v2 =	vadd.s32 $0xFFFFEC00, v2  }
0x110: {  	vm13 =	vlt.s32 v3, $0x1400;
	[tilespmem:$0x4F10] =	vst v1;
	v1 =	vsel vm12, v59, v2;
	v2 =	vor.u32 $0x1400, v61  }
0x111: {  	v62 =	vand.u32 $0xFF, v5;
	[tilespmem:$0x4F90] =	vst v1;
	v1 =	vsel vm13, v3, v2;
	v3 =	vadd.s32 $0xFFFFEC00, v3  }
0x112: {  	vm14 =	vlt.s32 v5, $0x1400;
	[tilespmem:$0x4F20] =	vst v1;
	v1 =	vsel vm13, v2, v3;
	v2 =	vor.u32 $0x1400, v62  }
0x113: {  	v63 =	vand.u32 $0xFF, v60;
	v3 =	vadd.s32 $0xFFFFEC00, v5;
	[tilespmem:$0x4FA0] =	vst v1;
	v1 =	vsel vm14, v5, v2  }
0x114: {  	vm15 =	vlt.s32 v60, $0x1400;
	[tilespmem:$0x4F30] =	vst v1;
	v1 =	vsel vm14, v2, v3;
	v2 =	vor.u32 $0x1400, v63  }
0x115: {  	v3 =	vadd.s32 $0xFFFFEC00, v60;
	[tilespmem:$0x4FB0] =	vst v1;
	v1 =	vsel vm15, v60, v2  }
0x116: {  	[tilespmem:$0x4F40] =	vst v1;
	v1 =	vsel vm15, v2, v3  }
0x117: {  	[tilespmem:$0x4FC0] =	vst v1  }
0x118: {  	[spmem:s2] =	stream.indirect.scatter.add.f32 [tilespmem:s21], [sflag:$0x3], $0x80, s30, s26, $0xb8;
	[tilespmem:$0x1F100] =	vst v63  }
0x119: {  	_ = 	snop  }
0x11a: {  	[spmem:s3] =	stream.indirect.scatter.add.f32 [tilespmem:s21], [sflag:$0x3], $0x80, s31, s26, $0xb8;
	[tilespmem:$0x1F100] =	vst v63  }
0x11b: {  	_ =	swait.ge [sflag:s0], $0x2800  }
0x11c: {  	[sflag:s0] =	ssyncset.done $0x0  }
0x11d: {  	[sflag:s0] =	ssyncadd.s32 $0xFFFFD800  }
0x11e: {  	_ =	swait.ge [sflag:s0], $0x2800  }
0x11f: {  	s7 =	stileid.u32;
	[sflag:s0] =	ssyncset.done $0x0  }
0x120: {  	s7 =	sshll.u32 s7, $0x6;
	[sflag:s0] =	ssyncadd.s32 $0xFFFFD800  }
0x121: {  	s7 =	sor.u32 $0x1C04, s7;
	[bflag:$0x0] =	sbarrier.arrive $0xFFFF  }
0x122: {  	[hbm:s18], [sflag:s7] =	dma.local [spmem:s24], $0x1400  }
0x123: {  	s6 =	sadd.s32 $0x1, s6;
	_ =	swait.ge [sflag:s22], $0x1400  }
0x124: {  	p0 =	sne.s32 s6, s20;
	[sflag:s22] =	ssyncset.done $0x0  }
.Ltmp2:
0x125: {  	[sflag:s22] =	ssyncadd.s32 $0xFFFFEC00;
	(pc) =	sbr.rel @p0 .LBB2_1-.Ltmp2, $4  }
0x126: {  	[hbm:s19], [sflag:s7] =	dma.local [spmem:s25], $0x1400  }
0x127: {  	_ =	swait.ge [sflag:s22], $0x1400  }
0x128: {  	[sflag:s22] =	ssyncset.done $0x0  }
0x129: {  	[sflag:s22] =	ssyncadd.s32 $0xFFFFEC00  }
0x12a: {  	_ =	sfence.sel $0x180000  }
0x12b: {  	[bflag:$0x0] =	sbarrier.arrive $0xFFFF  }
0x12c: {  	_ =	strace $0x9000004A  }
0x12d: {  	s0 =	stileid.u32;
	[bflag:$0x2] =	sbarrier.arrive $0xFFFF  }
0x12e: {  	p0 =	sne.s32 s0, $0x0;
	s0 =	rddreg [dreg:$0x4]  }
0x12f: {  	s0 =	sadd.s32 @!p0 $0x100000, s0  }
0x130: {  	[sflag:s0] =	ssyncadd.tile.s32 @!p0 $0x1;
	_ =	shalt  }
.Lfunc_end2:
_tile_overlayer_lowered:
.L_overlay_start_2:
0x131: {  	(tag) =	ssettag $0x2  }
0x132: {  	s0 =	rddreg [dreg:$0x0];
	s2 =	stileid.u32  }
0x133: {  	s1 =	rddreg [dreg:$0x1];
	p0 =	sne.s32 s2, $0x0  }
0x134: {  	s3 =	rddreg [dreg:$0x2];
	[bflag:$0x3] =	sbarrier.arrive $0xFFFF;
	s2 =	simm.s32 @!p0 $0x1C04  }
0x135: {  	[timem:s3], [sflag:s2] =	dma.local @!p0 [hbm:s0], s1  }
0x136: {  	s0 =	simm.s32 @!p0 $0x4  }
0x137: {  	_ =	swait.ge @!p0 [sflag:s0], s1  }
0x138: {  	s1 =	ssub.s32 @!p0 $0x0, s1;
	[sflag:s0] =	ssyncset.done @!p0 $0x0  }
0x139: {  	[sflag:s0] =	ssyncadd.s32 @!p0 s1  }
0x13a: {  	[bflag:$0x3] =	sbarrier.arrive $0xFFFF  }
0x13b: {  	_ =	shalt  }

</sc_bundles>
